<compile_context>
chip_gen: v7x
topology: tpu7x:2x2x1
jax: 0.10.2.dev20260603
libtpu: 0.0.44.dev20260713+nightly
codegen_flags: <defaults>
</compile_context>

<pallas_src>
import functools

import jax
import jax.numpy as jnp
from jax import lax
from jax.experimental import pallas as pl
from jax.experimental.pallas import tpu as pltpu
from jax.experimental.pallas import tpu_sc as plsc

NC = 2
NS = 16
NW = NC * NS
CHUNK = 128
CNTW = 16
NBUF = 4


def _seg_sum_sc(n_pad, rows_per_tile, feat, chunks, with_count):
    out_type = [jax.ShapeDtypeStruct((NC, n_pad, feat), jnp.float32)]
    scratch = [
        pltpu.VMEM((chunks, CHUNK), jnp.int32),
        pltpu.VMEM((chunks, CHUNK), jnp.int32),
        [pltpu.VMEM((CHUNK, feat), jnp.float32)] * NBUF,
        [pltpu.SemaphoreType.DMA] * NBUF,
        [pltpu.SemaphoreType.DMA] * NBUF,
        pltpu.VMEM_SHARED((n_pad, feat), jnp.float32),
    ]
    if with_count:
        out_type.append(jax.ShapeDtypeStruct((NC, n_pad, CNTW), jnp.float32))
        scratch += [
            pltpu.VMEM((CHUNK, CNTW), jnp.float32),
            pltpu.VMEM_SHARED((n_pad, CNTW), jnp.float32),
            pltpu.SemaphoreType.DMA,
        ]

    mesh = plsc.VectorSubcoreMesh(core_axis_name="c", subcore_axis_name="s")

    def body(*refs):
        if with_count:
            (src_h, dst_h, tab_h, zf_h, zc_h, ones_h, out_h, cnt_h,
             src_v, dst_v, rows, gsem, ssem, acc_sh,
             ones_v, cnt_sh, semc) = refs
        else:
            (src_h, dst_h, tab_h, zf_h, out_h,
             src_v, dst_v, rows, gsem, ssem, acc_sh) = refs
        cid = lax.axis_index("c")
        sid = lax.axis_index("s")
        wid = sid * NC + cid
        base = sid * rows_per_tile
        pltpu.sync_copy(zf_h, acc_sh.at[pl.ds(base, rows_per_tile)])
        if with_count:
            pltpu.sync_copy(zc_h, cnt_sh.at[pl.ds(base, rows_per_tile)])
            pltpu.sync_copy(ones_h, ones_v)
        pltpu.sync_copy(src_h.at[wid], src_v)
        pltpu.sync_copy(dst_h.at[wid], dst_v)
        plsc.subcore_barrier()

        def fire(j, b):
            pltpu.async_copy(tab_h.at[src_v.at[j]], rows[b], gsem[b])

        def drain_g(b):
            pltpu.make_async_copy(zf_h.at[pl.ds(0, CHUNK)], rows[b],
                                  gsem[b]).wait()

        def scat(j, b):
            pltpu.async_copy(rows[b], acc_sh.at[dst_v.at[j]], ssem[b],
                             add=True)
            if with_count:
                pltpu.async_copy(ones_v, cnt_sh.at[dst_v.at[j]], semc,
                                 add=True)

        def drain_s(b):
            pltpu.make_async_copy(rows[b], acc_sh.at[dst_v.at[0]],
                                  ssem[b]).wait()

        for b in range(NBUF):
            fire(b, b)

        def step(j4, carry):
            jb = NBUF * j4
            for b in range(NBUF):
                drain_g(b)
                scat(jb + b, b)
            for b in range(NBUF):
                drain_s(b)
                nxt = jb + NBUF + b

                @pl.when(nxt < chunks)
                def _():
                    fire(nxt, b)
            return carry

        lax.fori_loop(0, chunks // NBUF, step, 0)
        if with_count:
            def drainc(j, carry):
                pltpu.make_async_copy(
                    ones_v, cnt_sh.at[dst_v.at[0]], semc).wait()
                return carry
            lax.fori_loop(0, chunks, drainc, 0)
        plsc.subcore_barrier()
        pltpu.sync_copy(acc_sh.at[pl.ds(base, rows_per_tile)],
                        out_h.at[cid, pl.ds(base, rows_per_tile)])
        if with_count:
            pltpu.sync_copy(cnt_sh.at[pl.ds(base, rows_per_tile)],
                            cnt_h.at[cid, pl.ds(base, rows_per_tile)])

    return pl.kernel(body, out_type=tuple(out_type), mesh=mesh,
                     scratch_types=scratch,
                     compiler_params=pltpu.CompilerParams(
                         use_tc_tiling_on_sc=False))


def _matmul_tc(x, w, block_rows):
    n, k = x.shape
    m = w.shape[1]
    grid = (n // block_rows,)

    def mm(x_ref, w_ref, o_ref):
        o_ref[...] = jnp.dot(x_ref[...], w_ref[...],
                             preferred_element_type=jnp.float32)

    return pl.pallas_call(
        mm,
        grid=grid,
        in_specs=[pl.BlockSpec((block_rows, k), lambda i: (i, 0)),
                  pl.BlockSpec((k, m), lambda i: (0, 0))],
        out_specs=pl.BlockSpec((block_rows, m), lambda i: (i, 0)),
        out_shape=jax.ShapeDtypeStruct((n, m), jnp.float32),
    )(x, w)


def _mid_tc(parts1, cnt, pre, b1, w2cat, h_dim, c_dim, block_rows):
    n = pre.shape[0]
    grid = (n // block_rows,)

    def mid(p_ref, c_ref, pre_ref, b_ref, w_ref, t2_ref, r2_ref):
        s = p_ref[0] + p_ref[1]
        c = c_ref[0, :, 0:1] + c_ref[1, :, 0:1]
        mean = s / jnp.maximum(c, 1.0)
        h = jax.nn.sigmoid(mean + pre_ref[:, h_dim:2 * h_dim] + b_ref[0:1, :])
        t2r2 = jnp.dot(h, w_ref[...], preferred_element_type=jnp.float32)
        t2_ref[...] = t2r2[:, :c_dim]
        r2_ref[...] = t2r2[:, c_dim:]

    return pl.pallas_call(
        mid,
        grid=grid,
        in_specs=[
            pl.BlockSpec((NC, block_rows, h_dim), lambda i: (0, i, 0)),
            pl.BlockSpec((NC, block_rows, CNTW), lambda i: (0, i, 0)),
            pl.BlockSpec((block_rows, 2 * h_dim), lambda i: (i, 0)),
            pl.BlockSpec((8, h_dim), lambda i: (0, 0)),
            pl.BlockSpec((h_dim, 2 * c_dim), lambda i: (0, 0)),
        ],
        out_specs=[pl.BlockSpec((block_rows, c_dim), lambda i: (i, 0)),
                   pl.BlockSpec((block_rows, c_dim), lambda i: (i, 0))],
        out_shape=[jax.ShapeDtypeStruct((n, c_dim), jnp.float32),
                   jax.ShapeDtypeStruct((n, c_dim), jnp.float32)],
    )(parts1, cnt, pre, b1, w2cat)


def _post_tc(parts2, cnt, r2, b2, c_dim, block_rows):
    n = r2.shape[0]
    grid = (n // block_rows,)

    def post(p_ref, c_ref, r2_ref, b_ref, o_ref):
        s = p_ref[0] + p_ref[1]
        c = c_ref[0, :, 0:1] + c_ref[1, :, 0:1]
        o_ref[...] = s / jnp.maximum(c, 1.0) + r2_ref[...] + b_ref[0:1, :]

    return pl.pallas_call(
        post,
        grid=grid,
        in_specs=[
            pl.BlockSpec((NC, block_rows, c_dim), lambda i: (0, i, 0)),
            pl.BlockSpec((NC, block_rows, CNTW), lambda i: (0, i, 0)),
            pl.BlockSpec((block_rows, c_dim), lambda i: (i, 0)),
            pl.BlockSpec((8, c_dim), lambda i: (0, 0)),
        ],
        out_specs=pl.BlockSpec((block_rows, c_dim), lambda i: (i, 0)),
        out_shape=jax.ShapeDtypeStruct((n, c_dim), jnp.float32),
    )(parts2, cnt, r2, b2)


def kernel(x, edge_index, W1_l, W1_r, b1, W2_l, W2_r, b2):
    n, f_in = x.shape
    h_dim = W1_l.shape[1]
    c_dim = W2_l.shape[1]
    e = edge_index.shape[1]

    per_w = -(-e // NW)
    chunks = -(-per_w // CHUNK)
    chunks = ((chunks + NBUF - 1) // NBUF) * NBUF
    e_pad = NW * chunks * CHUNK
    n_pad = ((n + 1 + 8 * NS - 1) // (8 * NS)) * (8 * NS)
    rows_per_tile = n_pad // NS

    src = edge_index[0].astype(jnp.int32)
    dst = edge_index[1].astype(jnp.int32)
    src = jnp.concatenate(
        [src, jnp.zeros((e_pad - e,), jnp.int32)]).reshape(NW, chunks, CHUNK)
    trash = n + jnp.arange(e_pad - e, dtype=jnp.int32) % (n_pad - n)
    dst = jnp.concatenate([dst, trash]).reshape(NW, chunks, CHUNK)
    xp = jnp.concatenate([x, jnp.zeros((n_pad - n, f_in), x.dtype)], axis=0)

    zeros_f1 = jnp.zeros((rows_per_tile, h_dim), jnp.float32)
    zeros_f2 = jnp.zeros((rows_per_tile, c_dim), jnp.float32)
    zeros_c = jnp.zeros((rows_per_tile, CNTW), jnp.float32)
    ones = jnp.ones((CHUNK, CNTW), jnp.float32)

    w1cat = jnp.concatenate([W1_l, W1_r], axis=1)
    w2cat = jnp.concatenate([W2_l, W2_r], axis=1)
    b1b = jnp.broadcast_to(b1.reshape(1, h_dim), (8, h_dim))
    b2b = jnp.broadcast_to(b2.reshape(1, c_dim), (8, c_dim))

    block_rows = n_pad // 8

    pre = _matmul_tc(xp, w1cat, block_rows=block_rows)
    t1 = pre[:, :h_dim]

    seg1 = _seg_sum_sc(n_pad, rows_per_tile, h_dim, chunks, with_count=True)
    parts1, cnt = seg1(src, dst, t1, zeros_f1, zeros_c, ones)

    t2, r2 = _mid_tc(parts1, cnt, pre, b1b, w2cat, h_dim, c_dim,
                     block_rows=block_rows)

    seg2 = _seg_sum_sc(n_pad, rows_per_tile, c_dim, chunks, with_count=False)
    (parts2,) = seg2(src, dst, t2, zeros_f2)

    out = _post_tc(parts2, cnt, r2, b2b, c_dim, block_rows=block_rows)
    return out[:n]

# --- scband reference (transcript-rebuilt; emitter-appended) ---
"""Pipeline reference for scband-sage-33337536151789 (READ-ONLY COPY).

The authoritative reference and input builder live on the scoring server;
editing this copy changes nothing except your own understanding.
"""

import jax, jax.numpy as jnp
import numpy as np


def _sage_conv(x, edge_index, W_l, W_r, b):
    # PyG SAGEConv with mean aggregation:
    # out = lin_l(mean_{j in N(i)} x_j) + lin_r(x_i)
    src = edge_index[0]
    dst = edge_index[1]
    N = x.shape[0]
    msg = jnp.take(x, src, axis=0)
    summed = jax.ops.segment_sum(msg, dst, num_segments=N)
    cnt = jax.ops.segment_sum(jnp.ones((src.shape[0], 1), dtype=x.dtype), dst, num_segments=N)
    mean = summed / jnp.clip(cnt, 1.0, None)
    return mean @ W_l + x @ W_r + b


def setup_inputs(seed: int = 0) -> dict:
    key = jax.random.key(seed)
    k_x, k_e, k1, k2, k3, k4 = jax.random.split(key, 6)
    N = 10000
    E = 320000
    nfeat = 128
    nhid = 64
    nclass = 40
    x = jax.random.normal(k_x, (N, nfeat), dtype=jnp.float32)
    edge_index = jax.random.randint(k_e, (2, E), 0, N, dtype=jnp.int64)
    s1 = 1.0 / np.sqrt(nfeat)
    s2 = 1.0 / np.sqrt(nhid)
    W1_l = jax.random.uniform(k1, (nfeat, nhid), jnp.float32, -s1, s1)
    W1_r = jax.random.uniform(k2, (nfeat, nhid), jnp.float32, -s1, s1)
    b1 = jnp.zeros((nhid,), dtype=jnp.float32)
    W2_l = jax.random.uniform(k3, (nhid, nclass), jnp.float32, -s2, s2)
    W2_r = jax.random.uniform(k4, (nhid, nclass), jnp.float32, -s2, s2)
    b2 = jnp.zeros((nclass,), dtype=jnp.float32)
    return {"x": x, "edge_index": edge_index, "W1_l": W1_l, "W1_r": W1_r, "b1": b1, "W2_l": W2_l, "W2_r": W2_r, "b2": b2}


def reference(x, edge_index, W1_l, W1_r, b1, W2_l, W2_r, b2):
    h = _sage_conv(x, edge_index, W1_l, W1_r, b1)
    h = jax.nn.sigmoid(h)
    out = _sage_conv(h, edge_index, W2_l, W2_r, b2)
    return out

if __name__ == "__main__":
    import jax
    _d = setup_inputs()
    print(jax.jit(kernel)(*tuple(_d.values())))

</pallas_src>

<mosaic_0001>
#map = affine_map<(d0, d1) -> (0, 0, 0)>
#map1 = affine_map<(d0, d1) -> (0, 0)>
module attributes {stable_mosaic.version = 14 : i64} {
  func.func @body(%arg0: i32, %arg1: i32, %arg2: memref<32x80x128xi32, #tpu.memory_space<hbm>>, %arg3: memref<32x80x128xi32, #tpu.memory_space<hbm>>, %arg4: memref<10112x40xf32, #tpu.memory_space<hbm>>, %arg5: memref<632x40xf32, #tpu.memory_space<hbm>>, %arg6: memref<2x10112x40xf32, #tpu.memory_space<hbm>>, %arg7: memref<80x128xi32, #tpu.memory_space<vmem>>, %arg8: memref<80x128xi32, #tpu.memory_space<vmem>>, %arg9: memref<128x40xf32, #tpu.memory_space<vmem>>, %arg10: memref<128x40xf32, #tpu.memory_space<vmem>>, %arg11: memref<128x40xf32, #tpu.memory_space<vmem>>, %arg12: memref<128x40xf32, #tpu.memory_space<vmem>>, %arg13: memref<!tpu.dma_semaphore, #tpu.memory_space<semaphore_mem>>, %arg14: memref<!tpu.dma_semaphore, #tpu.memory_space<semaphore_mem>>, %arg15: memref<!tpu.dma_semaphore, #tpu.memory_space<semaphore_mem>>, %arg16: memref<!tpu.dma_semaphore, #tpu.memory_space<semaphore_mem>>, %arg17: memref<!tpu.dma_semaphore, #tpu.memory_space<semaphore_mem>>, %arg18: memref<!tpu.dma_semaphore, #tpu.memory_space<semaphore_mem>>, %arg19: memref<!tpu.dma_semaphore, #tpu.memory_space<semaphore_mem>>, %arg20: memref<!tpu.dma_semaphore, #tpu.memory_space<semaphore_mem>>, %arg21: memref<10112x40xf32, #tpu.memory_space<vmem_shared>>) attributes {dimension_semantics = [#tpu.dimension_semantics<core_parallel>, #tpu.dimension_semantics<subcore_parallel>], iteration_bounds = array<i64: 2, 16>, scalar_prefetch = 0 : i64, scratch_operands = 15 : i64, tpu.core_type = #tpu.core_type<sc_vector_subcore>, window_params = [{transform_indices = #map}, {transform_indices = #map}, {transform_indices = #map1}, {transform_indices = #map1}, {transform_indices = #map}]} {
    %mul3A = arith.constant 2 : i32
    %mul3A_0 = arith.muli %arg1, %mul3A : i32
    %add3A = arith.addi %mul3A_0, %arg0 : i32
    %mul3A_1 = arith.constant 632 : i32
    %mul3A_2 = arith.muli %arg1, %mul3A_1 : i32
    "tpu.region"() ({
      %run_scoped3A = tpu.sem_alloc : memref<!tpu.dma_semaphore, #tpu.memory_space<semaphore_mem>>
      %dma_start3A_36 = arith.constant 0 : i32
      %dma_start3A_37 = tpu.memref_slice %arg21[%mul3A_2, %dma_start3A_36] : memref<10112x40xf32, #tpu.memory_space<vmem_shared>> -> memref<632x40xf32, #tpu.memory_space<vmem_shared>>
      tpu.enqueue_dma source(%arg5 : memref<632x40xf32, #tpu.memory_space<hbm>>) target(%dma_start3A_37 : memref<632x40xf32, #tpu.memory_space<vmem_shared>>) target_semaphore(%run_scoped3A : memref<!tpu.dma_semaphore, #tpu.memory_space<semaphore_mem>>)
      %dma_wait3A = arith.constant 0 : i32
      %dma_wait3A_38 = tpu.memref_slice %arg21[%mul3A_2, %dma_wait3A] : memref<10112x40xf32, #tpu.memory_space<vmem_shared>> -> memref<632x40xf32, #tpu.memory_space<vmem_shared>>
      tpu.wait_dma2 semaphore(%run_scoped3A : memref<!tpu.dma_semaphore, #tpu.memory_space<semaphore_mem>>) src(%arg5 : memref<632x40xf32, #tpu.memory_space<hbm>>) dst(%dma_wait3A_38 : memref<632x40xf32, #tpu.memory_space<vmem_shared>>)
      tpu.yield
    }) : () -> ()
    "tpu.region"() ({
      %run_scoped3A = tpu.sem_alloc : memref<!tpu.dma_semaphore, #tpu.memory_space<semaphore_mem>>
      %dma_start3A_36 = arith.constant 0 : i32
      %dma_start3A_37 = arith.constant 0 : i32
      %dma_start3A_38 = tpu.memref_slice %arg2[%add3A, %dma_start3A_36, %dma_start3A_37] : memref<32x80x128xi32, #tpu.memory_space<hbm>> -> memref<1x80x128xi32, #tpu.memory_space<hbm>>
      %dma_start3A_39 = tpu.memref_squeeze %dma_start3A_38 : memref<1x80x128xi32, #tpu.memory_space<hbm>> -> memref<80x128xi32, #tpu.memory_space<hbm>>
      %dma_start3A_40 = arith.constant 0 : i32
      %dma_start3A_41 = arith.constant 0 : i32
      %dma_start3A_42 = tpu.memref_slice %arg2[%add3A, %dma_start3A_40, %dma_start3A_41] : memref<32x80x128xi32, #tpu.memory_space<hbm>> -> memref<1x80x128xi32, #tpu.memory_space<hbm>>
      %dma_start3A_43 = tpu.memref_squeeze %dma_start3A_42 : memref<1x80x128xi32, #tpu.memory_space<hbm>> -> memref<80x128xi32, #tpu.memory_space<hbm>>
      tpu.enqueue_dma source(%dma_start3A_43 : memref<80x128xi32, #tpu.memory_space<hbm>>) target(%arg7 : memref<80x128xi32, #tpu.memory_space<vmem>>) target_semaphore(%run_scoped3A : memref<!tpu.dma_semaphore, #tpu.memory_space<semaphore_mem>>)
      %dma_wait3A = arith.constant 0 : i32
      %dma_wait3A_44 = arith.constant 0 : i32
      %dma_wait3A_45 = tpu.memref_slice %arg2[%add3A, %dma_wait3A, %dma_wait3A_44] : memref<32x80x128xi32, #tpu.memory_space<hbm>> -> memref<1x80x128xi32, #tpu.memory_space<hbm>>
      %dma_wait3A_46 = tpu.memref_squeeze %dma_wait3A_45 : memref<1x80x128xi32, #tpu.memory_space<hbm>> -> memref<80x128xi32, #tpu.memory_space<hbm>>
      %dma_wait3A_47 = arith.constant 0 : i32
      %dma_wait3A_48 = arith.constant 0 : i32
      %dma_wait3A_49 = tpu.memref_slice %arg2[%add3A, %dma_wait3A_47, %dma_wait3A_48] : memref<32x80x128xi32, #tpu.memory_space<hbm>> -> memref<1x80x128xi32, #tpu.memory_space<hbm>>
      %dma_wait3A_50 = tpu.memref_squeeze %dma_wait3A_49 : memref<1x80x128xi32, #tpu.memory_space<hbm>> -> memref<80x128xi32, #tpu.memory_space<hbm>>
      tpu.wait_dma2 semaphore(%run_scoped3A : memref<!tpu.dma_semaphore, #tpu.memory_space<semaphore_mem>>) src(%dma_wait3A_50 : memref<80x128xi32, #tpu.memory_space<hbm>>) dst(%arg7 : memref<80x128xi32, #tpu.memory_space<vmem>>)
      tpu.yield
    }) : () -> ()
    "tpu.region"() ({
      %run_scoped3A = tpu.sem_alloc : memref<!tpu.dma_semaphore, #tpu.memory_space<semaphore_mem>>
      %dma_start3A_36 = arith.constant 0 : i32
      %dma_start3A_37 = arith.constant 0 : i32
      %dma_start3A_38 = tpu.memref_slice %arg3[%add3A, %dma_start3A_36, %dma_start3A_37] : memref<32x80x128xi32, #tpu.memory_space<hbm>> -> memref<1x80x128xi32, #tpu.memory_space<hbm>>
      %dma_start3A_39 = tpu.memref_squeeze %dma_start3A_38 : memref<1x80x128xi32, #tpu.memory_space<hbm>> -> memref<80x128xi32, #tpu.memory_space<hbm>>
      %dma_start3A_40 = arith.constant 0 : i32
      %dma_start3A_41 = arith.constant 0 : i32
      %dma_start3A_42 = tpu.memref_slice %arg3[%add3A, %dma_start3A_40, %dma_start3A_41] : memref<32x80x128xi32, #tpu.memory_space<hbm>> -> memref<1x80x128xi32, #tpu.memory_space<hbm>>
      %dma_start3A_43 = tpu.memref_squeeze %dma_start3A_42 : memref<1x80x128xi32, #tpu.memory_space<hbm>> -> memref<80x128xi32, #tpu.memory_space<hbm>>
      tpu.enqueue_dma source(%dma_start3A_43 : memref<80x128xi32, #tpu.memory_space<hbm>>) target(%arg8 : memref<80x128xi32, #tpu.memory_space<vmem>>) target_semaphore(%run_scoped3A : memref<!tpu.dma_semaphore, #tpu.memory_space<semaphore_mem>>)
      %dma_wait3A = arith.constant 0 : i32
      %dma_wait3A_44 = arith.constant 0 : i32
      %dma_wait3A_45 = tpu.memref_slice %arg3[%add3A, %dma_wait3A, %dma_wait3A_44] : memref<32x80x128xi32, #tpu.memory_space<hbm>> -> memref<1x80x128xi32, #tpu.memory_space<hbm>>
      %dma_wait3A_46 = tpu.memref_squeeze %dma_wait3A_45 : memref<1x80x128xi32, #tpu.memory_space<hbm>> -> memref<80x128xi32, #tpu.memory_space<hbm>>
      %dma_wait3A_47 = arith.constant 0 : i32
      %dma_wait3A_48 = arith.constant 0 : i32
      %dma_wait3A_49 = tpu.memref_slice %arg3[%add3A, %dma_wait3A_47, %dma_wait3A_48] : memref<32x80x128xi32, #tpu.memory_space<hbm>> -> memref<1x80x128xi32, #tpu.memory_space<hbm>>
      %dma_wait3A_50 = tpu.memref_squeeze %dma_wait3A_49 : memref<1x80x128xi32, #tpu.memory_space<hbm>> -> memref<80x128xi32, #tpu.memory_space<hbm>>
      tpu.wait_dma2 semaphore(%run_scoped3A : memref<!tpu.dma_semaphore, #tpu.memory_space<semaphore_mem>>) src(%dma_wait3A_50 : memref<80x128xi32, #tpu.memory_space<hbm>>) dst(%arg8 : memref<80x128xi32, #tpu.memory_space<vmem>>)
      tpu.yield
    }) : () -> ()
    %barrier3A = arith.constant 0 : index
    tpu.barrier barrier_id(%barrier3A)
    %dma_start3A = arith.constant 0 : i32
    %dma_start3A_3 = arith.constant 0 : i32
    %dma_start3A_4 = tpu.memref_slice %arg7[%dma_start3A, %dma_start3A_3] : memref<80x128xi32, #tpu.memory_space<vmem>> -> memref<1x128xi32, #tpu.memory_space<vmem>>
    %dma_start3A_5 = tpu.memref_squeeze %dma_start3A_4 : memref<1x128xi32, #tpu.memory_space<vmem>> -> memref<128xi32, #tpu.memory_space<vmem>>
    %dma_start3A_6 = arith.constant 0 : i32
    %dma_start3A_7 = arith.constant 0 : i32
    %dma_start3A_8 = tpu.memref_slice %arg4[%dma_start3A_6, %dma_start3A_7] : memref<10112x40xf32, #tpu.memory_space<hbm>> -> memref<10112x40xf32, #tpu.memory_space<hbm>>
    tpu.enqueue_indirect_dma source(%dma_start3A_8 : memref<10112x40xf32, #tpu.memory_space<hbm>>) target(%arg9 : memref<128x40xf32, #tpu.memory_space<vmem>>) offsets(%dma_start3A_5 : memref<128xi32, #tpu.memory_space<vmem>>) semaphore(%arg13 : memref<!tpu.dma_semaphore, #tpu.memory_space<semaphore_mem>>)
    %dma_start3A_9 = arith.constant 1 : i32
    %dma_start3A_10 = arith.constant 0 : i32
    %dma_start3A_11 = tpu.memref_slice %arg7[%dma_start3A_9, %dma_start3A_10] : memref<80x128xi32, #tpu.memory_space<vmem>> -> memref<1x128xi32, #tpu.memory_space<vmem>>
    %dma_start3A_12 = tpu.memref_squeeze %dma_start3A_11 : memref<1x128xi32, #tpu.memory_space<vmem>> -> memref<128xi32, #tpu.memory_space<vmem>>
    %dma_start3A_13 = arith.constant 0 : i32
    %dma_start3A_14 = arith.constant 0 : i32
    %dma_start3A_15 = tpu.memref_slice %arg4[%dma_start3A_13, %dma_start3A_14] : memref<10112x40xf32, #tpu.memory_space<hbm>> -> memref<10112x40xf32, #tpu.memory_space<hbm>>
    tpu.enqueue_indirect_dma source(%dma_start3A_15 : memref<10112x40xf32, #tpu.memory_space<hbm>>) target(%arg10 : memref<128x40xf32, #tpu.memory_space<vmem>>) offsets(%dma_start3A_12 : memref<128xi32, #tpu.memory_space<vmem>>) semaphore(%arg14 : memref<!tpu.dma_semaphore, #tpu.memory_space<semaphore_mem>>)
    %dma_start3A_16 = arith.constant 2 : i32
    %dma_start3A_17 = arith.constant 0 : i32
    %dma_start3A_18 = tpu.memref_slice %arg7[%dma_start3A_16, %dma_start3A_17] : memref<80x128xi32, #tpu.memory_space<vmem>> -> memref<1x128xi32, #tpu.memory_space<vmem>>
    %dma_start3A_19 = tpu.memref_squeeze %dma_start3A_18 : memref<1x128xi32, #tpu.memory_space<vmem>> -> memref<128xi32, #tpu.memory_space<vmem>>
    %dma_start3A_20 = arith.constant 0 : i32
    %dma_start3A_21 = arith.constant 0 : i32
    %dma_start3A_22 = tpu.memref_slice %arg4[%dma_start3A_20, %dma_start3A_21] : memref<10112x40xf32, #tpu.memory_space<hbm>> -> memref<10112x40xf32, #tpu.memory_space<hbm>>
    tpu.enqueue_indirect_dma source(%dma_start3A_22 : memref<10112x40xf32, #tpu.memory_space<hbm>>) target(%arg11 : memref<128x40xf32, #tpu.memory_space<vmem>>) offsets(%dma_start3A_19 : memref<128xi32, #tpu.memory_space<vmem>>) semaphore(%arg15 : memref<!tpu.dma_semaphore, #tpu.memory_space<semaphore_mem>>)
    %dma_start3A_23 = arith.constant 3 : i32
    %dma_start3A_24 = arith.constant 0 : i32
    %dma_start3A_25 = tpu.memref_slice %arg7[%dma_start3A_23, %dma_start3A_24] : memref<80x128xi32, #tpu.memory_space<vmem>> -> memref<1x128xi32, #tpu.memory_space<vmem>>
    %dma_start3A_26 = tpu.memref_squeeze %dma_start3A_25 : memref<1x128xi32, #tpu.memory_space<vmem>> -> memref<128xi32, #tpu.memory_space<vmem>>
    %dma_start3A_27 = arith.constant 0 : i32
    %dma_start3A_28 = arith.constant 0 : i32
    %dma_start3A_29 = tpu.memref_slice %arg4[%dma_start3A_27, %dma_start3A_28] : memref<10112x40xf32, #tpu.memory_space<hbm>> -> memref<10112x40xf32, #tpu.memory_space<hbm>>
    tpu.enqueue_indirect_dma source(%dma_start3A_29 : memref<10112x40xf32, #tpu.memory_space<hbm>>) target(%arg12 : memref<128x40xf32, #tpu.memory_space<vmem>>) offsets(%dma_start3A_26 : memref<128xi32, #tpu.memory_space<vmem>>) semaphore(%arg16 : memref<!tpu.dma_semaphore, #tpu.memory_space<semaphore_mem>>)
    %scan3A = arith.constant 0 : i32
    %scan3A_30 = arith.constant 0 : i32
    %scan3A_31 = arith.constant 20 : i32
    %scan3A_32 = arith.addi %scan3A_30, %scan3A_31 : i32
    %scan3A_33 = arith.constant 1 : i32
    scf.for %scan3A_36 = %scan3A_30 to %scan3A_32 step %scan3A_33  : i32 {
      %mul3A_37 = arith.constant 4 : i32
      %mul3A_38 = arith.muli %mul3A_37, %scan3A_36 : i32
      %dma_wait3A = arith.constant 0 : i32
      %dma_wait3A_39 = arith.constant 0 : i32
      %dma_wait3A_40 = tpu.memref_slice %arg5[%dma_wait3A, %dma_wait3A_39] : memref<632x40xf32, #tpu.memory_space<hbm>> -> memref<128x40xf32, #tpu.memory_space<hbm>>
      %dma_wait3A_41 = arith.constant 0 : i32
      %dma_wait3A_42 = arith.constant 0 : i32
      %dma_wait3A_43 = tpu.memref_slice %arg5[%dma_wait3A_41, %dma_wait3A_42] : memref<632x40xf32, #tpu.memory_space<hbm>> -> memref<128x40xf32, #tpu.memory_space<hbm>>
      tpu.wait_dma2 semaphore(%arg13 : memref<!tpu.dma_semaphore, #tpu.memory_space<semaphore_mem>>) src(%dma_wait3A_43 : memref<128x40xf32, #tpu.memory_space<hbm>>) dst(%arg9 : memref<128x40xf32, #tpu.memory_space<vmem>>)
      %add3A_44 = arith.constant 0 : i32
      %add3A_45 = arith.addi %mul3A_38, %add3A_44 : i32
      %dma_start3A_46 = arith.constant 0 : i32
      %dma_start3A_47 = tpu.memref_slice %arg8[%add3A_45, %dma_start3A_46] : memref<80x128xi32, #tpu.memory_space<vmem>> -> memref<1x128xi32, #tpu.memory_space<vmem>>
      %dma_start3A_48 = tpu.memref_squeeze %dma_start3A_47 : memref<1x128xi32, #tpu.memory_space<vmem>> -> memref<128xi32, #tpu.memory_space<vmem>>
      %dma_start3A_49 = arith.constant 0 : i32
      %dma_start3A_50 = arith.constant 0 : i32
      %dma_start3A_51 = tpu.memref_slice %arg21[%dma_start3A_49, %dma_start3A_50] : memref<10112x40xf32, #tpu.memory_space<vmem_shared>> -> memref<10112x40xf32, #tpu.memory_space<vmem_shared>>
      tpu.enqueue_indirect_dma source(%arg9 : memref<128x40xf32, #tpu.memory_space<vmem>>) target(%dma_start3A_51 : memref<10112x40xf32, #tpu.memory_space<vmem_shared>>) offsets(%dma_start3A_48 : memref<128xi32, #tpu.memory_space<vmem>>) semaphore(%arg17 : memref<!tpu.dma_semaphore, #tpu.memory_space<semaphore_mem>>) {add = true}
      %dma_wait3A_52 = arith.constant 0 : i32
      %dma_wait3A_53 = arith.constant 0 : i32
      %dma_wait3A_54 = tpu.memref_slice %arg5[%dma_wait3A_52, %dma_wait3A_53] : memref<632x40xf32, #tpu.memory_space<hbm>> -> memref<128x40xf32, #tpu.memory_space<hbm>>
      %dma_wait3A_55 = arith.constant 0 : i32
      %dma_wait3A_56 = arith.constant 0 : i32
      %dma_wait3A_57 = tpu.memref_slice %arg5[%dma_wait3A_55, %dma_wait3A_56] : memref<632x40xf32, #tpu.memory_space<hbm>> -> memref<128x40xf32, #tpu.memory_space<hbm>>
      tpu.wait_dma2 semaphore(%arg14 : memref<!tpu.dma_semaphore, #tpu.memory_space<semaphore_mem>>) src(%dma_wait3A_57 : memref<128x40xf32, #tpu.memory_space<hbm>>) dst(%arg10 : memref<128x40xf32, #tpu.memory_space<vmem>>)
      %add3A_58 = arith.constant 1 : i32
      %add3A_59 = arith.addi %mul3A_38, %add3A_58 : i32
      %dma_start3A_60 = arith.constant 0 : i32
      %dma_start3A_61 = tpu.memref_slice %arg8[%add3A_59, %dma_start3A_60] : memref<80x128xi32, #tpu.memory_space<vmem>> -> memref<1x128xi32, #tpu.memory_space<vmem>>
      %dma_start3A_62 = tpu.memref_squeeze %dma_start3A_61 : memref<1x128xi32, #tpu.memory_space<vmem>> -> memref<128xi32, #tpu.memory_space<vmem>>
      %dma_start3A_63 = arith.constant 0 : i32
      %dma_start3A_64 = arith.constant 0 : i32
      %dma_start3A_65 = tpu.memref_slice %arg21[%dma_start3A_63, %dma_start3A_64] : memref<10112x40xf32, #tpu.memory_space<vmem_shared>> -> memref<10112x40xf32, #tpu.memory_space<vmem_shared>>
      tpu.enqueue_indirect_dma source(%arg10 : memref<128x40xf32, #tpu.memory_space<vmem>>) target(%dma_start3A_65 : memref<10112x40xf32, #tpu.memory_space<vmem_shared>>) offsets(%dma_start3A_62 : memref<128xi32, #tpu.memory_space<vmem>>) semaphore(%arg18 : memref<!tpu.dma_semaphore, #tpu.memory_space<semaphore_mem>>) {add = true}
      %dma_wait3A_66 = arith.constant 0 : i32
      %dma_wait3A_67 = arith.constant 0 : i32
      %dma_wait3A_68 = tpu.memref_slice %arg5[%dma_wait3A_66, %dma_wait3A_67] : memref<632x40xf32, #tpu.memory_space<hbm>> -> memref<128x40xf32, #tpu.memory_space<hbm>>
      %dma_wait3A_69 = arith.constant 0 : i32
      %dma_wait3A_70 = arith.constant 0 : i32
      %dma_wait3A_71 = tpu.memref_slice %arg5[%dma_wait3A_69, %dma_wait3A_70] : memref<632x40xf32, #tpu.memory_space<hbm>> -> memref<128x40xf32, #tpu.memory_space<hbm>>
      tpu.wait_dma2 semaphore(%arg15 : memref<!tpu.dma_semaphore, #tpu.memory_space<semaphore_mem>>) src(%dma_wait3A_71 : memref<128x40xf32, #tpu.memory_space<hbm>>) dst(%arg11 : memref<128x40xf32, #tpu.memory_space<vmem>>)
      %add3A_72 = arith.constant 2 : i32
      %add3A_73 = arith.addi %mul3A_38, %add3A_72 : i32
      %dma_start3A_74 = arith.constant 0 : i32
      %dma_start3A_75 = tpu.memref_slice %arg8[%add3A_73, %dma_start3A_74] : memref<80x128xi32, #tpu.memory_space<vmem>> -> memref<1x128xi32, #tpu.memory_space<vmem>>
      %dma_start3A_76 = tpu.memref_squeeze %dma_start3A_75 : memref<1x128xi32, #tpu.memory_space<vmem>> -> memref<128xi32, #tpu.memory_space<vmem>>
      %dma_start3A_77 = arith.constant 0 : i32
      %dma_start3A_78 = arith.constant 0 : i32
      %dma_start3A_79 = tpu.memref_slice %arg21[%dma_start3A_77, %dma_start3A_78] : memref<10112x40xf32, #tpu.memory_space<vmem_shared>> -> memref<10112x40xf32, #tpu.memory_space<vmem_shared>>
      tpu.enqueue_indirect_dma source(%arg11 : memref<128x40xf32, #tpu.memory_space<vmem>>) target(%dma_start3A_79 : memref<10112x40xf32, #tpu.memory_space<vmem_shared>>) offsets(%dma_start3A_76 : memref<128xi32, #tpu.memory_space<vmem>>) semaphore(%arg19 : memref<!tpu.dma_semaphore, #tpu.memory_space<semaphore_mem>>) {add = true}
      %dma_wait3A_80 = arith.constant 0 : i32
      %dma_wait3A_81 = arith.constant 0 : i32
      %dma_wait3A_82 = tpu.memref_slice %arg5[%dma_wait3A_80, %dma_wait3A_81] : memref<632x40xf32, #tpu.memory_space<hbm>> -> memref<128x40xf32, #tpu.memory_space<hbm>>
      %dma_wait3A_83 = arith.constant 0 : i32
      %dma_wait3A_84 = arith.constant 0 : i32
      %dma_wait3A_85 = tpu.memref_slice %arg5[%dma_wait3A_83, %dma_wait3A_84] : memref<632x40xf32, #tpu.memory_space<hbm>> -> memref<128x40xf32, #tpu.memory_space<hbm>>
      tpu.wait_dma2 semaphore(%arg16 : memref<!tpu.dma_semaphore, #tpu.memory_space<semaphore_mem>>) src(%dma_wait3A_85 : memref<128x40xf32, #tpu.memory_space<hbm>>) dst(%arg12 : memref<128x40xf32, #tpu.memory_space<vmem>>)
      %add3A_86 = arith.constant 3 : i32
      %add3A_87 = arith.addi %mul3A_38, %add3A_86 : i32
      %dma_start3A_88 = arith.constant 0 : i32
      %dma_start3A_89 = tpu.memref_slice %arg8[%add3A_87, %dma_start3A_88] : memref<80x128xi32, #tpu.memory_space<vmem>> -> memref<1x128xi32, #tpu.memory_space<vmem>>
      %dma_start3A_90 = tpu.memref_squeeze %dma_start3A_89 : memref<1x128xi32, #tpu.memory_space<vmem>> -> memref<128xi32, #tpu.memory_space<vmem>>
      %dma_start3A_91 = arith.constant 0 : i32
      %dma_start3A_92 = arith.constant 0 : i32
      %dma_start3A_93 = tpu.memref_slice %arg21[%dma_start3A_91, %dma_start3A_92] : memref<10112x40xf32, #tpu.memory_space<vmem_shared>> -> memref<10112x40xf32, #tpu.memory_space<vmem_shared>>
      tpu.enqueue_indirect_dma source(%arg12 : memref<128x40xf32, #tpu.memory_space<vmem>>) target(%dma_start3A_93 : memref<10112x40xf32, #tpu.memory_space<vmem_shared>>) offsets(%dma_start3A_90 : memref<128xi32, #tpu.memory_space<vmem>>) semaphore(%arg20 : memref<!tpu.dma_semaphore, #tpu.memory_space<semaphore_mem>>) {add = true}
      %dma_wait3A_94 = arith.constant 0 : i32
      %dma_wait3A_95 = arith.constant 0 : i32
      %dma_wait3A_96 = tpu.memref_slice %arg8[%dma_wait3A_94, %dma_wait3A_95] : memref<80x128xi32, #tpu.memory_space<vmem>> -> memref<1x128xi32, #tpu.memory_space<vmem>>
      %dma_wait3A_97 = tpu.memref_squeeze %dma_wait3A_96 : memref<1x128xi32, #tpu.memory_space<vmem>> -> memref<128xi32, #tpu.memory_space<vmem>>
      %dma_wait3A_98 = arith.constant 0 : i32
      %dma_wait3A_99 = arith.constant 0 : i32
      %dma_wait3A_100 = tpu.memref_slice %arg21[%dma_wait3A_98, %dma_wait3A_99] : memref<10112x40xf32, #tpu.memory_space<vmem_shared>> -> memref<10112x40xf32, #tpu.memory_space<vmem_shared>>
      tpu.wait_indirect_dma semaphore(%arg17 : memref<!tpu.dma_semaphore, #tpu.memory_space<semaphore_mem>>) src(%arg9 : memref<128x40xf32, #tpu.memory_space<vmem>>) dst(%dma_wait3A_100 : memref<10112x40xf32, #tpu.memory_space<vmem_shared>>)
      %add3A_101 = arith.constant 4 : i32
      %add3A_102 = arith.addi %mul3A_38, %add3A_101 : i32
      %add3A_103 = arith.constant 0 : i32
      %add3A_104 = arith.addi %add3A_102, %add3A_103 : i32
      %lt3A = arith.constant 80 : i32
      %lt3A_105 = arith.cmpi slt, %add3A_104, %lt3A : i32
      %convert_element_type3A = arith.extui %lt3A_105 : i1 to i32
      %cond3A = arith.constant 0 : i32
      %cond3A_106 = arith.cmpi ne, %convert_element_type3A, %cond3A : i32
      scf.if %cond3A_106 {
        %dma_start3A_155 = arith.constant 0 : i32
        %dma_start3A_156 = tpu.memref_slice %arg7[%add3A_104, %dma_start3A_155] : memref<80x128xi32, #tpu.memory_space<vmem>> -> memref<1x128xi32, #tpu.memory_space<vmem>>
        %dma_start3A_157 = tpu.memref_squeeze %dma_start3A_156 : memref<1x128xi32, #tpu.memory_space<vmem>> -> memref<128xi32, #tpu.memory_space<vmem>>
        %dma_start3A_158 = arith.constant 0 : i32
        %dma_start3A_159 = arith.constant 0 : i32
        %dma_start3A_160 = tpu.memref_slice %arg4[%dma_start3A_158, %dma_start3A_159] : memref<10112x40xf32, #tpu.memory_space<hbm>> -> memref<10112x40xf32, #tpu.memory_space<hbm>>
        tpu.enqueue_indirect_dma source(%dma_start3A_160 : memref<10112x40xf32, #tpu.memory_space<hbm>>) target(%arg9 : memref<128x40xf32, #tpu.memory_space<vmem>>) offsets(%dma_start3A_157 : memref<128xi32, #tpu.memory_space<vmem>>) semaphore(%arg13 : memref<!tpu.dma_semaphore, #tpu.memory_space<semaphore_mem>>)
      } else {
      }
      %dma_wait3A_107 = arith.constant 0 : i32
      %dma_wait3A_108 = arith.constant 0 : i32
      %dma_wait3A_109 = tpu.memref_slice %arg8[%dma_wait3A_107, %dma_wait3A_108] : memref<80x128xi32, #tpu.memory_space<vmem>> -> memref<1x128xi32, #tpu.memory_space<vmem>>
      %dma_wait3A_110 = tpu.memref_squeeze %dma_wait3A_109 : memref<1x128xi32, #tpu.memory_space<vmem>> -> memref<128xi32, #tpu.memory_space<vmem>>
      %dma_wait3A_111 = arith.constant 0 : i32
      %dma_wait3A_112 = arith.constant 0 : i32
      %dma_wait3A_113 = tpu.memref_slice %arg21[%dma_wait3A_111, %dma_wait3A_112] : memref<10112x40xf32, #tpu.memory_space<vmem_shared>> -> memref<10112x40xf32, #tpu.memory_space<vmem_shared>>
      tpu.wait_indirect_dma semaphore(%arg18 : memref<!tpu.dma_semaphore, #tpu.memory_space<semaphore_mem>>) src(%arg10 : memref<128x40xf32, #tpu.memory_space<vmem>>) dst(%dma_wait3A_113 : memref<10112x40xf32, #tpu.memory_space<vmem_shared>>)
      %add3A_114 = arith.constant 4 : i32
      %add3A_115 = arith.addi %mul3A_38, %add3A_114 : i32
      %add3A_116 = arith.constant 1 : i32
      %add3A_117 = arith.addi %add3A_115, %add3A_116 : i32
      %lt3A_118 = arith.constant 80 : i32
      %lt3A_119 = arith.cmpi slt, %add3A_117, %lt3A_118 : i32
      %convert_element_type3A_120 = arith.extui %lt3A_119 : i1 to i32
      %cond3A_121 = arith.constant 0 : i32
      %cond3A_122 = arith.cmpi ne, %convert_element_type3A_120, %cond3A_121 : i32
      scf.if %cond3A_122 {
        %dma_start3A_155 = arith.constant 0 : i32
        %dma_start3A_156 = tpu.memref_slice %arg7[%add3A_117, %dma_start3A_155] : memref<80x128xi32, #tpu.memory_space<vmem>> -> memref<1x128xi32, #tpu.memory_space<vmem>>
        %dma_start3A_157 = tpu.memref_squeeze %dma_start3A_156 : memref<1x128xi32, #tpu.memory_space<vmem>> -> memref<128xi32, #tpu.memory_space<vmem>>
        %dma_start3A_158 = arith.constant 0 : i32
        %dma_start3A_159 = arith.constant 0 : i32
        %dma_start3A_160 = tpu.memref_slice %arg4[%dma_start3A_158, %dma_start3A_159] : memref<10112x40xf32, #tpu.memory_space<hbm>> -> memref<10112x40xf32, #tpu.memory_space<hbm>>
        tpu.enqueue_indirect_dma source(%dma_start3A_160 : memref<10112x40xf32, #tpu.memory_space<hbm>>) target(%arg10 : memref<128x40xf32, #tpu.memory_space<vmem>>) offsets(%dma_start3A_157 : memref<128xi32, #tpu.memory_space<vmem>>) semaphore(%arg14 : memref<!tpu.dma_semaphore, #tpu.memory_space<semaphore_mem>>)
      } else {
      }
      %dma_wait3A_123 = arith.constant 0 : i32
      %dma_wait3A_124 = arith.constant 0 : i32
      %dma_wait3A_125 = tpu.memref_slice %arg8[%dma_wait3A_123, %dma_wait3A_124] : memref<80x128xi32, #tpu.memory_space<vmem>> -> memref<1x128xi32, #tpu.memory_space<vmem>>
      %dma_wait3A_126 = tpu.memref_squeeze %dma_wait3A_125 : memref<1x128xi32, #tpu.memory_space<vmem>> -> memref<128xi32, #tpu.memory_space<vmem>>
      %dma_wait3A_127 = arith.constant 0 : i32
      %dma_wait3A_128 = arith.constant 0 : i32
      %dma_wait3A_129 = tpu.memref_slice %arg21[%dma_wait3A_127, %dma_wait3A_128] : memref<10112x40xf32, #tpu.memory_space<vmem_shared>> -> memref<10112x40xf32, #tpu.memory_space<vmem_shared>>
      tpu.wait_indirect_dma semaphore(%arg19 : memref<!tpu.dma_semaphore, #tpu.memory_space<semaphore_mem>>) src(%arg11 : memref<128x40xf32, #tpu.memory_space<vmem>>) dst(%dma_wait3A_129 : memref<10112x40xf32, #tpu.memory_space<vmem_shared>>)
      %add3A_130 = arith.constant 4 : i32
      %add3A_131 = arith.addi %mul3A_38, %add3A_130 : i32
      %add3A_132 = arith.constant 2 : i32
      %add3A_133 = arith.addi %add3A_131, %add3A_132 : i32
      %lt3A_134 = arith.constant 80 : i32
      %lt3A_135 = arith.cmpi slt, %add3A_133, %lt3A_134 : i32
      %convert_element_type3A_136 = arith.extui %lt3A_135 : i1 to i32
      %cond3A_137 = arith.constant 0 : i32
      %cond3A_138 = arith.cmpi ne, %convert_element_type3A_136, %cond3A_137 : i32
      scf.if %cond3A_138 {
        %dma_start3A_155 = arith.constant 0 : i32
        %dma_start3A_156 = tpu.memref_slice %arg7[%add3A_133, %dma_start3A_155] : memref<80x128xi32, #tpu.memory_space<vmem>> -> memref<1x128xi32, #tpu.memory_space<vmem>>
        %dma_start3A_157 = tpu.memref_squeeze %dma_start3A_156 : memref<1x128xi32, #tpu.memory_space<vmem>> -> memref<128xi32, #tpu.memory_space<vmem>>
        %dma_start3A_158 = arith.constant 0 : i32
        %dma_start3A_159 = arith.constant 0 : i32
        %dma_start3A_160 = tpu.memref_slice %arg4[%dma_start3A_158, %dma_start3A_159] : memref<10112x40xf32, #tpu.memory_space<hbm>> -> memref<10112x40xf32, #tpu.memory_space<hbm>>
        tpu.enqueue_indirect_dma source(%dma_start3A_160 : memref<10112x40xf32, #tpu.memory_space<hbm>>) target(%arg11 : memref<128x40xf32, #tpu.memory_space<vmem>>) offsets(%dma_start3A_157 : memref<128xi32, #tpu.memory_space<vmem>>) semaphore(%arg15 : memref<!tpu.dma_semaphore, #tpu.memory_space<semaphore_mem>>)
      } else {
      }
      %dma_wait3A_139 = arith.constant 0 : i32
      %dma_wait3A_140 = arith.constant 0 : i32
      %dma_wait3A_141 = tpu.memref_slice %arg8[%dma_wait3A_139, %dma_wait3A_140] : memref<80x128xi32, #tpu.memory_space<vmem>> -> memref<1x128xi32, #tpu.memory_space<vmem>>
      %dma_wait3A_142 = tpu.memref_squeeze %dma_wait3A_141 : memref<1x128xi32, #tpu.memory_space<vmem>> -> memref<128xi32, #tpu.memory_space<vmem>>
      %dma_wait3A_143 = arith.constant 0 : i32
      %dma_wait3A_144 = arith.constant 0 : i32
      %dma_wait3A_145 = tpu.memref_slice %arg21[%dma_wait3A_143, %dma_wait3A_144] : memref<10112x40xf32, #tpu.memory_space<vmem_shared>> -> memref<10112x40xf32, #tpu.memory_space<vmem_shared>>
      tpu.wait_indirect_dma semaphore(%arg20 : memref<!tpu.dma_semaphore, #tpu.memory_space<semaphore_mem>>) src(%arg12 : memref<128x40xf32, #tpu.memory_space<vmem>>) dst(%dma_wait3A_145 : memref<10112x40xf32, #tpu.memory_space<vmem_shared>>)
      %add3A_146 = arith.constant 4 : i32
      %add3A_147 = arith.addi %mul3A_38, %add3A_146 : i32
      %add3A_148 = arith.constant 3 : i32
      %add3A_149 = arith.addi %add3A_147, %add3A_148 : i32
      %lt3A_150 = arith.constant 80 : i32
      %lt3A_151 = arith.cmpi slt, %add3A_149, %lt3A_150 : i32
      %convert_element_type3A_152 = arith.extui %lt3A_151 : i1 to i32
      %cond3A_153 = arith.constant 0 : i32
      %cond3A_154 = arith.cmpi ne, %convert_element_type3A_152, %cond3A_153 : i32
      scf.if %cond3A_154 {
        %dma_start3A_155 = arith.constant 0 : i32
        %dma_start3A_156 = tpu.memref_slice %arg7[%add3A_149, %dma_start3A_155] : memref<80x128xi32, #tpu.memory_space<vmem>> -> memref<1x128xi32, #tpu.memory_space<vmem>>
        %dma_start3A_157 = tpu.memref_squeeze %dma_start3A_156 : memref<1x128xi32, #tpu.memory_space<vmem>> -> memref<128xi32, #tpu.memory_space<vmem>>
        %dma_start3A_158 = arith.constant 0 : i32
        %dma_start3A_159 = arith.constant 0 : i32
        %dma_start3A_160 = tpu.memref_slice %arg4[%dma_start3A_158, %dma_start3A_159] : memref<10112x40xf32, #tpu.memory_space<hbm>> -> memref<10112x40xf32, #tpu.memory_space<hbm>>
        tpu.enqueue_indirect_dma source(%dma_start3A_160 : memref<10112x40xf32, #tpu.memory_space<hbm>>) target(%arg12 : memref<128x40xf32, #tpu.memory_space<vmem>>) offsets(%dma_start3A_157 : memref<128xi32, #tpu.memory_space<vmem>>) semaphore(%arg16 : memref<!tpu.dma_semaphore, #tpu.memory_space<semaphore_mem>>)
      } else {
      }
    }
    %scan3A_34 = arith.constant 20 : i32
    %barrier3A_35 = arith.constant 0 : index
    tpu.barrier barrier_id(%barrier3A_35)
    "tpu.region"() ({
      %run_scoped3A = tpu.sem_alloc : memref<!tpu.dma_semaphore, #tpu.memory_space<semaphore_mem>>
      %dma_start3A_36 = arith.constant 0 : i32
      %dma_start3A_37 = tpu.memref_slice %arg6[%arg0, %mul3A_2, %dma_start3A_36] : memref<2x10112x40xf32, #tpu.memory_space<hbm>> -> memref<1x632x40xf32, #tpu.memory_space<hbm>>
      %dma_start3A_38 = tpu.memref_squeeze %dma_start3A_37 : memref<1x632x40xf32, #tpu.memory_space<hbm>> -> memref<632x40xf32, #tpu.memory_space<hbm>>
      %dma_start3A_39 = arith.constant 0 : i32
      %dma_start3A_40 = tpu.memref_slice %arg21[%mul3A_2, %dma_start3A_39] : memref<10112x40xf32, #tpu.memory_space<vmem_shared>> -> memref<632x40xf32, #tpu.memory_space<vmem_shared>>
      tpu.enqueue_dma source(%dma_start3A_40 : memref<632x40xf32, #tpu.memory_space<vmem_shared>>) target(%dma_start3A_38 : memref<632x40xf32, #tpu.memory_space<hbm>>) target_semaphore(%run_scoped3A : memref<!tpu.dma_semaphore, #tpu.memory_space<semaphore_mem>>)
      %dma_wait3A = arith.constant 0 : i32
      %dma_wait3A_41 = tpu.memref_slice %arg6[%arg0, %mul3A_2, %dma_wait3A] : memref<2x10112x40xf32, #tpu.memory_space<hbm>> -> memref<1x632x40xf32, #tpu.memory_space<hbm>>
      %dma_wait3A_42 = tpu.memref_squeeze %dma_wait3A_41 : memref<1x632x40xf32, #tpu.memory_space<hbm>> -> memref<632x40xf32, #tpu.memory_space<hbm>>
      %dma_wait3A_43 = arith.constant 0 : i32
      %dma_wait3A_44 = tpu.memref_slice %arg21[%mul3A_2, %dma_wait3A_43] : memref<10112x40xf32, #tpu.memory_space<vmem_shared>> -> memref<632x40xf32, #tpu.memory_space<vmem_shared>>
      tpu.wait_dma2 semaphore(%run_scoped3A : memref<!tpu.dma_semaphore, #tpu.memory_space<semaphore_mem>>) src(%dma_wait3A_44 : memref<632x40xf32, #tpu.memory_space<vmem_shared>>) dst(%dma_wait3A_42 : memref<632x40xf32, #tpu.memory_space<hbm>>)
      tpu.yield
    }) : () -> ()
    return
  }
}

#map = affine_map<(d0, d1) -> (0, 0, 0)>
#map1 = affine_map<(d0, d1) -> (0, 0)>
module attributes {stable_mosaic.version = 14 : i64} {
  func.func @body(%arg0: i32, %arg1: i32, %arg2: memref<32x80x128xi32, #tpu.memory_space<hbm>>, %arg3: memref<32x80x128xi32, #tpu.memory_space<hbm>>, %arg4: memref<10112x64xf32, #tpu.memory_space<hbm>>, %arg5: memref<632x64xf32, #tpu.memory_space<hbm>>, %arg6: memref<632x16xf32, #tpu.memory_space<hbm>>, %arg7: memref<128x16xf32, #tpu.memory_space<hbm>>, %arg8: memref<2x10112x64xf32, #tpu.memory_space<hbm>>, %arg9: memref<2x10112x16xf32, #tpu.memory_space<hbm>>, %arg10: memref<80x128xi32, #tpu.memory_space<vmem>>, %arg11: memref<80x128xi32, #tpu.memory_space<vmem>>, %arg12: memref<128x64xf32, #tpu.memory_space<vmem>>, %arg13: memref<128x64xf32, #tpu.memory_space<vmem>>, %arg14: memref<128x64xf32, #tpu.memory_space<vmem>>, %arg15: memref<128x64xf32, #tpu.memory_space<vmem>>, %arg16: memref<!tpu.dma_semaphore, #tpu.memory_space<semaphore_mem>>, %arg17: memref<!tpu.dma_semaphore, #tpu.memory_space<semaphore_mem>>, %arg18: memref<!tpu.dma_semaphore, #tpu.memory_space<semaphore_mem>>, %arg19: memref<!tpu.dma_semaphore, #tpu.memory_space<semaphore_mem>>, %arg20: memref<!tpu.dma_semaphore, #tpu.memory_space<semaphore_mem>>, %arg21: memref<!tpu.dma_semaphore, #tpu.memory_space<semaphore_mem>>, %arg22: memref<!tpu.dma_semaphore, #tpu.memory_space<semaphore_mem>>, %arg23: memref<!tpu.dma_semaphore, #tpu.memory_space<semaphore_mem>>, %arg24: memref<10112x64xf32, #tpu.memory_space<vmem_shared>>, %arg25: memref<128x16xf32, #tpu.memory_space<vmem>>, %arg26: memref<10112x16xf32, #tpu.memory_space<vmem_shared>>, %arg27: memref<!tpu.dma_semaphore, #tpu.memory_space<semaphore_mem>>) attributes {dimension_semantics = [#tpu.dimension_semantics<core_parallel>, #tpu.dimension_semantics<subcore_parallel>], iteration_bounds = array<i64: 2, 16>, scalar_prefetch = 0 : i64, scratch_operands = 18 : i64, tpu.core_type = #tpu.core_type<sc_vector_subcore>, window_params = [{transform_indices = #map}, {transform_indices = #map}, {transform_indices = #map1}, {transform_indices = #map1}, {transform_indices = #map1}, {transform_indices = #map1}, {transform_indices = #map}, {transform_indices = #map}]} {
    %mul3A = arith.constant 2 : i32
    %mul3A_0 = arith.muli %arg1, %mul3A : i32
    %add3A = arith.addi %mul3A_0, %arg0 : i32
    %mul3A_1 = arith.constant 632 : i32
    %mul3A_2 = arith.muli %arg1, %mul3A_1 : i32
    "tpu.region"() ({
      %run_scoped3A = tpu.sem_alloc : memref<!tpu.dma_semaphore, #tpu.memory_space<semaphore_mem>>
      %dma_start3A_42 = arith.constant 0 : i32
      %dma_start3A_43 = tpu.memref_slice %arg24[%mul3A_2, %dma_start3A_42] : memref<10112x64xf32, #tpu.memory_space<vmem_shared>> -> memref<632x64xf32, #tpu.memory_space<vmem_shared>>
      tpu.enqueue_dma source(%arg5 : memref<632x64xf32, #tpu.memory_space<hbm>>) target(%dma_start3A_43 : memref<632x64xf32, #tpu.memory_space<vmem_shared>>) target_semaphore(%run_scoped3A : memref<!tpu.dma_semaphore, #tpu.memory_space<semaphore_mem>>)
      %dma_wait3A = arith.constant 0 : i32
      %dma_wait3A_44 = tpu.memref_slice %arg24[%mul3A_2, %dma_wait3A] : memref<10112x64xf32, #tpu.memory_space<vmem_shared>> -> memref<632x64xf32, #tpu.memory_space<vmem_shared>>
      tpu.wait_dma2 semaphore(%run_scoped3A : memref<!tpu.dma_semaphore, #tpu.memory_space<semaphore_mem>>) src(%arg5 : memref<632x64xf32, #tpu.memory_space<hbm>>) dst(%dma_wait3A_44 : memref<632x64xf32, #tpu.memory_space<vmem_shared>>)
      tpu.yield
    }) : () -> ()
    "tpu.region"() ({
      %run_scoped3A = tpu.sem_alloc : memref<!tpu.dma_semaphore, #tpu.memory_space<semaphore_mem>>
      %dma_start3A_42 = arith.constant 0 : i32
      %dma_start3A_43 = tpu.memref_slice %arg26[%mul3A_2, %dma_start3A_42] : memref<10112x16xf32, #tpu.memory_space<vmem_shared>> -> memref<632x16xf32, #tpu.memory_space<vmem_shared>>
      tpu.enqueue_dma source(%arg6 : memref<632x16xf32, #tpu.memory_space<hbm>>) target(%dma_start3A_43 : memref<632x16xf32, #tpu.memory_space<vmem_shared>>) target_semaphore(%run_scoped3A : memref<!tpu.dma_semaphore, #tpu.memory_space<semaphore_mem>>)
      %dma_wait3A = arith.constant 0 : i32
      %dma_wait3A_44 = tpu.memref_slice %arg26[%mul3A_2, %dma_wait3A] : memref<10112x16xf32, #tpu.memory_space<vmem_shared>> -> memref<632x16xf32, #tpu.memory_space<vmem_shared>>
      tpu.wait_dma2 semaphore(%run_scoped3A : memref<!tpu.dma_semaphore, #tpu.memory_space<semaphore_mem>>) src(%arg6 : memref<632x16xf32, #tpu.memory_space<hbm>>) dst(%dma_wait3A_44 : memref<632x16xf32, #tpu.memory_space<vmem_shared>>)
      tpu.yield
    }) : () -> ()
    "tpu.region"() ({
      %run_scoped3A = tpu.sem_alloc : memref<!tpu.dma_semaphore, #tpu.memory_space<semaphore_mem>>
      tpu.enqueue_dma source(%arg7 : memref<128x16xf32, #tpu.memory_space<hbm>>) target(%arg25 : memref<128x16xf32, #tpu.memory_space<vmem>>) target_semaphore(%run_scoped3A : memref<!tpu.dma_semaphore, #tpu.memory_space<semaphore_mem>>)
      tpu.wait_dma2 semaphore(%run_scoped3A : memref<!tpu.dma_semaphore, #tpu.memory_space<semaphore_mem>>) src(%arg7 : memref<128x16xf32, #tpu.memory_space<hbm>>) dst(%arg25 : memref<128x16xf32, #tpu.memory_space<vmem>>)
      tpu.yield
    }) : () -> ()
    "tpu.region"() ({
      %run_scoped3A = tpu.sem_alloc : memref<!tpu.dma_semaphore, #tpu.memory_space<semaphore_mem>>
      %dma_start3A_42 = arith.constant 0 : i32
      %dma_start3A_43 = arith.constant 0 : i32
      %dma_start3A_44 = tpu.memref_slice %arg2[%add3A, %dma_start3A_42, %dma_start3A_43] : memref<32x80x128xi32, #tpu.memory_space<hbm>> -> memref<1x80x128xi32, #tpu.memory_space<hbm>>
      %dma_start3A_45 = tpu.memref_squeeze %dma_start3A_44 : memref<1x80x128xi32, #tpu.memory_space<hbm>> -> memref<80x128xi32, #tpu.memory_space<hbm>>
      %dma_start3A_46 = arith.constant 0 : i32
      %dma_start3A_47 = arith.constant 0 : i32
      %dma_start3A_48 = tpu.memref_slice %arg2[%add3A, %dma_start3A_46, %dma_start3A_47] : memref<32x80x128xi32, #tpu.memory_space<hbm>> -> memref<1x80x128xi32, #tpu.memory_space<hbm>>
      %dma_start3A_49 = tpu.memref_squeeze %dma_start3A_48 : memref<1x80x128xi32, #tpu.memory_space<hbm>> -> memref<80x128xi32, #tpu.memory_space<hbm>>
      tpu.enqueue_dma source(%dma_start3A_49 : memref<80x128xi32, #tpu.memory_space<hbm>>) target(%arg10 : memref<80x128xi32, #tpu.memory_space<vmem>>) target_semaphore(%run_scoped3A : memref<!tpu.dma_semaphore, #tpu.memory_space<semaphore_mem>>)
      %dma_wait3A = arith.constant 0 : i32
      %dma_wait3A_50 = arith.constant 0 : i32
      %dma_wait3A_51 = tpu.memref_slice %arg2[%add3A, %dma_wait3A, %dma_wait3A_50] : memref<32x80x128xi32, #tpu.memory_space<hbm>> -> memref<1x80x128xi32, #tpu.memory_space<hbm>>
      %dma_wait3A_52 = tpu.memref_squeeze %dma_wait3A_51 : memref<1x80x128xi32, #tpu.memory_space<hbm>> -> memref<80x128xi32, #tpu.memory_space<hbm>>
      %dma_wait3A_53 = arith.constant 0 : i32
      %dma_wait3A_54 = arith.constant 0 : i32
      %dma_wait3A_55 = tpu.memref_slice %arg2[%add3A, %dma_wait3A_53, %dma_wait3A_54] : memref<32x80x128xi32, #tpu.memory_space<hbm>> -> memref<1x80x128xi32, #tpu.memory_space<hbm>>
      %dma_wait3A_56 = tpu.memref_squeeze %dma_wait3A_55 : memref<1x80x128xi32, #tpu.memory_space<hbm>> -> memref<80x128xi32, #tpu.memory_space<hbm>>
      tpu.wait_dma2 semaphore(%run_scoped3A : memref<!tpu.dma_semaphore, #tpu.memory_space<semaphore_mem>>) src(%dma_wait3A_56 : memref<80x128xi32, #tpu.memory_space<hbm>>) dst(%arg10 : memref<80x128xi32, #tpu.memory_space<vmem>>)
      tpu.yield
    }) : () -> ()
    "tpu.region"() ({
      %run_scoped3A = tpu.sem_alloc : memref<!tpu.dma_semaphore, #tpu.memory_space<semaphore_mem>>
      %dma_start3A_42 = arith.constant 0 : i32
      %dma_start3A_43 = arith.constant 0 : i32
      %dma_start3A_44 = tpu.memref_slice %arg3[%add3A, %dma_start3A_42, %dma_start3A_43] : memref<32x80x128xi32, #tpu.memory_space<hbm>> -> memref<1x80x128xi32, #tpu.memory_space<hbm>>
      %dma_start3A_45 = tpu.memref_squeeze %dma_start3A_44 : memref<1x80x128xi32, #tpu.memory_space<hbm>> -> memref<80x128xi32, #tpu.memory_space<hbm>>
      %dma_start3A_46 = arith.constant 0 : i32
      %dma_start3A_47 = arith.constant 0 : i32
      %dma_start3A_48 = tpu.memref_slice %arg3[%add3A, %dma_start3A_46, %dma_start3A_47] : memref<32x80x128xi32, #tpu.memory_space<hbm>> -> memref<1x80x128xi32, #tpu.memory_space<hbm>>
      %dma_start3A_49 = tpu.memref_squeeze %dma_start3A_48 : memref<1x80x128xi32, #tpu.memory_space<hbm>> -> memref<80x128xi32, #tpu.memory_space<hbm>>
      tpu.enqueue_dma source(%dma_start3A_49 : memref<80x128xi32, #tpu.memory_space<hbm>>) target(%arg11 : memref<80x128xi32, #tpu.memory_space<vmem>>) target_semaphore(%run_scoped3A : memref<!tpu.dma_semaphore, #tpu.memory_space<semaphore_mem>>)
      %dma_wait3A = arith.constant 0 : i32
      %dma_wait3A_50 = arith.constant 0 : i32
      %dma_wait3A_51 = tpu.memref_slice %arg3[%add3A, %dma_wait3A, %dma_wait3A_50] : memref<32x80x128xi32, #tpu.memory_space<hbm>> -> memref<1x80x128xi32, #tpu.memory_space<hbm>>
      %dma_wait3A_52 = tpu.memref_squeeze %dma_wait3A_51 : memref<1x80x128xi32, #tpu.memory_space<hbm>> -> memref<80x128xi32, #tpu.memory_space<hbm>>
      %dma_wait3A_53 = arith.constant 0 : i32
      %dma_wait3A_54 = arith.constant 0 : i32
      %dma_wait3A_55 = tpu.memref_slice %arg3[%add3A, %dma_wait3A_53, %dma_wait3A_54] : memref<32x80x128xi32, #tpu.memory_space<hbm>> -> memref<1x80x128xi32, #tpu.memory_space<hbm>>
      %dma_wait3A_56 = tpu.memref_squeeze %dma_wait3A_55 : memref<1x80x128xi32, #tpu.memory_space<hbm>> -> memref<80x128xi32, #tpu.memory_space<hbm>>
      tpu.wait_dma2 semaphore(%run_scoped3A : memref<!tpu.dma_semaphore, #tpu.memory_space<semaphore_mem>>) src(%dma_wait3A_56 : memref<80x128xi32, #tpu.memory_space<hbm>>) dst(%arg11 : memref<80x128xi32, #tpu.memory_space<vmem>>)
      tpu.yield
    }) : () -> ()
    %barrier3A = arith.constant 0 : index
    tpu.barrier barrier_id(%barrier3A)
    %dma_start3A = arith.constant 0 : i32
    %dma_start3A_3 = arith.constant 0 : i32
    %dma_start3A_4 = tpu.memref_slice %arg10[%dma_start3A, %dma_start3A_3] : memref<80x128xi32, #tpu.memory_space<vmem>> -> memref<1x128xi32, #tpu.memory_space<vmem>>
    %dma_start3A_5 = tpu.memref_squeeze %dma_start3A_4 : memref<1x128xi32, #tpu.memory_space<vmem>> -> memref<128xi32, #tpu.memory_space<vmem>>
    %dma_start3A_6 = arith.constant 0 : i32
    %dma_start3A_7 = arith.constant 0 : i32
    %dma_start3A_8 = tpu.memref_slice %arg4[%dma_start3A_6, %dma_start3A_7] : memref<10112x64xf32, #tpu.memory_space<hbm>> -> memref<10112x64xf32, #tpu.memory_space<hbm>>
    tpu.enqueue_indirect_dma source(%dma_start3A_8 : memref<10112x64xf32, #tpu.memory_space<hbm>>) target(%arg12 : memref<128x64xf32, #tpu.memory_space<vmem>>) offsets(%dma_start3A_5 : memref<128xi32, #tpu.memory_space<vmem>>) semaphore(%arg16 : memref<!tpu.dma_semaphore, #tpu.memory_space<semaphore_mem>>)
    %dma_start3A_9 = arith.constant 1 : i32
    %dma_start3A_10 = arith.constant 0 : i32
    %dma_start3A_11 = tpu.memref_slice %arg10[%dma_start3A_9, %dma_start3A_10] : memref<80x128xi32, #tpu.memory_space<vmem>> -> memref<1x128xi32, #tpu.memory_space<vmem>>
    %dma_start3A_12 = tpu.memref_squeeze %dma_start3A_11 : memref<1x128xi32, #tpu.memory_space<vmem>> -> memref<128xi32, #tpu.memory_space<vmem>>
    %dma_start3A_13 = arith.constant 0 : i32
    %dma_start3A_14 = arith.constant 0 : i32
    %dma_start3A_15 = tpu.memref_slice %arg4[%dma_start3A_13, %dma_start3A_14] : memref<10112x64xf32, #tpu.memory_space<hbm>> -> memref<10112x64xf32, #tpu.memory_space<hbm>>
    tpu.enqueue_indirect_dma source(%dma_start3A_15 : memref<10112x64xf32, #tpu.memory_space<hbm>>) target(%arg13 : memref<128x64xf32, #tpu.memory_space<vmem>>) offsets(%dma_start3A_12 : memref<128xi32, #tpu.memory_space<vmem>>) semaphore(%arg17 : memref<!tpu.dma_semaphore, #tpu.memory_space<semaphore_mem>>)
    %dma_start3A_16 = arith.constant 2 : i32
    %dma_start3A_17 = arith.constant 0 : i32
    %dma_start3A_18 = tpu.memref_slice %arg10[%dma_start3A_16, %dma_start3A_17] : memref<80x128xi32, #tpu.memory_space<vmem>> -> memref<1x128xi32, #tpu.memory_space<vmem>>
    %dma_start3A_19 = tpu.memref_squeeze %dma_start3A_18 : memref<1x128xi32, #tpu.memory_space<vmem>> -> memref<128xi32, #tpu.memory_space<vmem>>
    %dma_start3A_20 = arith.constant 0 : i32
    %dma_start3A_21 = arith.constant 0 : i32
    %dma_start3A_22 = tpu.memref_slice %arg4[%dma_start3A_20, %dma_start3A_21] : memref<10112x64xf32, #tpu.memory_space<hbm>> -> memref<10112x64xf32, #tpu.memory_space<hbm>>
    tpu.enqueue_indirect_dma source(%dma_start3A_22 : memref<10112x64xf32, #tpu.memory_space<hbm>>) target(%arg14 : memref<128x64xf32, #tpu.memory_space<vmem>>) offsets(%dma_start3A_19 : memref<128xi32, #tpu.memory_space<vmem>>) semaphore(%arg18 : memref<!tpu.dma_semaphore, #tpu.memory_space<semaphore_mem>>)
    %dma_start3A_23 = arith.constant 3 : i32
    %dma_start3A_24 = arith.constant 0 : i32
    %dma_start3A_25 = tpu.memref_slice %arg10[%dma_start3A_23, %dma_start3A_24] : memref<80x128xi32, #tpu.memory_space<vmem>> -> memref<1x128xi32, #tpu.memory_space<vmem>>
    %dma_start3A_26 = tpu.memref_squeeze %dma_start3A_25 : memref<1x128xi32, #tpu.memory_space<vmem>> -> memref<128xi32, #tpu.memory_space<vmem>>
    %dma_start3A_27 = arith.constant 0 : i32
    %dma_start3A_28 = arith.constant 0 : i32
    %dma_start3A_29 = tpu.memref_slice %arg4[%dma_start3A_27, %dma_start3A_28] : memref<10112x64xf32, #tpu.memory_space<hbm>> -> memref<10112x64xf32, #tpu.memory_space<hbm>>
    tpu.enqueue_indirect_dma source(%dma_start3A_29 : memref<10112x64xf32, #tpu.memory_space<hbm>>) target(%arg15 : memref<128x64xf32, #tpu.memory_space<vmem>>) offsets(%dma_start3A_26 : memref<128xi32, #tpu.memory_space<vmem>>) semaphore(%arg19 : memref<!tpu.dma_semaphore, #tpu.memory_space<semaphore_mem>>)
    %scan3A = arith.constant 0 : i32
    %scan3A_30 = arith.constant 0 : i32
    %scan3A_31 = arith.constant 20 : i32
    %scan3A_32 = arith.addi %scan3A_30, %scan3A_31 : i32
    %scan3A_33 = arith.constant 1 : i32
    scf.for %scan3A_42 = %scan3A_30 to %scan3A_32 step %scan3A_33  : i32 {
      %mul3A_43 = arith.constant 4 : i32
      %mul3A_44 = arith.muli %mul3A_43, %scan3A_42 : i32
      %dma_wait3A = arith.constant 0 : i32
      %dma_wait3A_45 = arith.constant 0 : i32
      %dma_wait3A_46 = tpu.memref_slice %arg5[%dma_wait3A, %dma_wait3A_45] : memref<632x64xf32, #tpu.memory_space<hbm>> -> memref<128x64xf32, #tpu.memory_space<hbm>>
      %dma_wait3A_47 = arith.constant 0 : i32
      %dma_wait3A_48 = arith.constant 0 : i32
      %dma_wait3A_49 = tpu.memref_slice %arg5[%dma_wait3A_47, %dma_wait3A_48] : memref<632x64xf32, #tpu.memory_space<hbm>> -> memref<128x64xf32, #tpu.memory_space<hbm>>
      tpu.wait_dma2 semaphore(%arg16 : memref<!tpu.dma_semaphore, #tpu.memory_space<semaphore_mem>>) src(%dma_wait3A_49 : memref<128x64xf32, #tpu.memory_space<hbm>>) dst(%arg12 : memref<128x64xf32, #tpu.memory_space<vmem>>)
      %add3A_50 = arith.constant 0 : i32
      %add3A_51 = arith.addi %mul3A_44, %add3A_50 : i32
      %dma_start3A_52 = arith.constant 0 : i32
      %dma_start3A_53 = tpu.memref_slice %arg11[%add3A_51, %dma_start3A_52] : memref<80x128xi32, #tpu.memory_space<vmem>> -> memref<1x128xi32, #tpu.memory_space<vmem>>
      %dma_start3A_54 = tpu.memref_squeeze %dma_start3A_53 : memref<1x128xi32, #tpu.memory_space<vmem>> -> memref<128xi32, #tpu.memory_space<vmem>>
      %dma_start3A_55 = arith.constant 0 : i32
      %dma_start3A_56 = arith.constant 0 : i32
      %dma_start3A_57 = tpu.memref_slice %arg24[%dma_start3A_55, %dma_start3A_56] : memref<10112x64xf32, #tpu.memory_space<vmem_shared>> -> memref<10112x64xf32, #tpu.memory_space<vmem_shared>>
      tpu.enqueue_indirect_dma source(%arg12 : memref<128x64xf32, #tpu.memory_space<vmem>>) target(%dma_start3A_57 : memref<10112x64xf32, #tpu.memory_space<vmem_shared>>) offsets(%dma_start3A_54 : memref<128xi32, #tpu.memory_space<vmem>>) semaphore(%arg20 : memref<!tpu.dma_semaphore, #tpu.memory_space<semaphore_mem>>) {add = true}
      %dma_start3A_58 = arith.constant 0 : i32
      %dma_start3A_59 = tpu.memref_slice %arg11[%add3A_51, %dma_start3A_58] : memref<80x128xi32, #tpu.memory_space<vmem>> -> memref<1x128xi32, #tpu.memory_space<vmem>>
      %dma_start3A_60 = tpu.memref_squeeze %dma_start3A_59 : memref<1x128xi32, #tpu.memory_space<vmem>> -> memref<128xi32, #tpu.memory_space<vmem>>
      %dma_start3A_61 = arith.constant 0 : i32
      %dma_start3A_62 = arith.constant 0 : i32
      %dma_start3A_63 = tpu.memref_slice %arg26[%dma_start3A_61, %dma_start3A_62] : memref<10112x16xf32, #tpu.memory_space<vmem_shared>> -> memref<10112x16xf32, #tpu.memory_space<vmem_shared>>
      tpu.enqueue_indirect_dma source(%arg25 : memref<128x16xf32, #tpu.memory_space<vmem>>) target(%dma_start3A_63 : memref<10112x16xf32, #tpu.memory_space<vmem_shared>>) offsets(%dma_start3A_60 : memref<128xi32, #tpu.memory_space<vmem>>) semaphore(%arg27 : memref<!tpu.dma_semaphore, #tpu.memory_space<semaphore_mem>>) {add = true}
      %dma_wait3A_64 = arith.constant 0 : i32
      %dma_wait3A_65 = arith.constant 0 : i32
      %dma_wait3A_66 = tpu.memref_slice %arg5[%dma_wait3A_64, %dma_wait3A_65] : memref<632x64xf32, #tpu.memory_space<hbm>> -> memref<128x64xf32, #tpu.memory_space<hbm>>
      %dma_wait3A_67 = arith.constant 0 : i32
      %dma_wait3A_68 = arith.constant 0 : i32
      %dma_wait3A_69 = tpu.memref_slice %arg5[%dma_wait3A_67, %dma_wait3A_68] : memref<632x64xf32, #tpu.memory_space<hbm>> -> memref<128x64xf32, #tpu.memory_space<hbm>>
      tpu.wait_dma2 semaphore(%arg17 : memref<!tpu.dma_semaphore, #tpu.memory_space<semaphore_mem>>) src(%dma_wait3A_69 : memref<128x64xf32, #tpu.memory_space<hbm>>) dst(%arg13 : memref<128x64xf32, #tpu.memory_space<vmem>>)
      %add3A_70 = arith.constant 1 : i32
      %add3A_71 = arith.addi %mul3A_44, %add3A_70 : i32
      %dma_start3A_72 = arith.constant 0 : i32
      %dma_start3A_73 = tpu.memref_slice %arg11[%add3A_71, %dma_start3A_72] : memref<80x128xi32, #tpu.memory_space<vmem>> -> memref<1x128xi32, #tpu.memory_space<vmem>>
      %dma_start3A_74 = tpu.memref_squeeze %dma_start3A_73 : memref<1x128xi32, #tpu.memory_space<vmem>> -> memref<128xi32, #tpu.memory_space<vmem>>
      %dma_start3A_75 = arith.constant 0 : i32
      %dma_start3A_76 = arith.constant 0 : i32
      %dma_start3A_77 = tpu.memref_slice %arg24[%dma_start3A_75, %dma_start3A_76] : memref<10112x64xf32, #tpu.memory_space<vmem_shared>> -> memref<10112x64xf32, #tpu.memory_space<vmem_shared>>
      tpu.enqueue_indirect_dma source(%arg13 : memref<128x64xf32, #tpu.memory_space<vmem>>) target(%dma_start3A_77 : memref<10112x64xf32, #tpu.memory_space<vmem_shared>>) offsets(%dma_start3A_74 : memref<128xi32, #tpu.memory_space<vmem>>) semaphore(%arg21 : memref<!tpu.dma_semaphore, #tpu.memory_space<semaphore_mem>>) {add = true}
      %dma_start3A_78 = arith.constant 0 : i32
      %dma_start3A_79 = tpu.memref_slice %arg11[%add3A_71, %dma_start3A_78] : memref<80x128xi32, #tpu.memory_space<vmem>> -> memref<1x128xi32, #tpu.memory_space<vmem>>
      %dma_start3A_80 = tpu.memref_squeeze %dma_start3A_79 : memref<1x128xi32, #tpu.memory_space<vmem>> -> memref<128xi32, #tpu.memory_space<vmem>>
      %dma_start3A_81 = arith.constant 0 : i32
      %dma_start3A_82 = arith.constant 0 : i32
      %dma_start3A_83 = tpu.memref_slice %arg26[%dma_start3A_81, %dma_start3A_82] : memref<10112x16xf32, #tpu.memory_space<vmem_shared>> -> memref<10112x16xf32, #tpu.memory_space<vmem_shared>>
      tpu.enqueue_indirect_dma source(%arg25 : memref<128x16xf32, #tpu.memory_space<vmem>>) target(%dma_start3A_83 : memref<10112x16xf32, #tpu.memory_space<vmem_shared>>) offsets(%dma_start3A_80 : memref<128xi32, #tpu.memory_space<vmem>>) semaphore(%arg27 : memref<!tpu.dma_semaphore, #tpu.memory_space<semaphore_mem>>) {add = true}
      %dma_wait3A_84 = arith.constant 0 : i32
      %dma_wait3A_85 = arith.constant 0 : i32
      %dma_wait3A_86 = tpu.memref_slice %arg5[%dma_wait3A_84, %dma_wait3A_85] : memref<632x64xf32, #tpu.memory_space<hbm>> -> memref<128x64xf32, #tpu.memory_space<hbm>>
      %dma_wait3A_87 = arith.constant 0 : i32
      %dma_wait3A_88 = arith.constant 0 : i32
      %dma_wait3A_89 = tpu.memref_slice %arg5[%dma_wait3A_87, %dma_wait3A_88] : memref<632x64xf32, #tpu.memory_space<hbm>> -> memref<128x64xf32, #tpu.memory_space<hbm>>
      tpu.wait_dma2 semaphore(%arg18 : memref<!tpu.dma_semaphore, #tpu.memory_space<semaphore_mem>>) src(%dma_wait3A_89 : memref<128x64xf32, #tpu.memory_space<hbm>>) dst(%arg14 : memref<128x64xf32, #tpu.memory_space<vmem>>)
      %add3A_90 = arith.constant 2 : i32
      %add3A_91 = arith.addi %mul3A_44, %add3A_90 : i32
      %dma_start3A_92 = arith.constant 0 : i32
      %dma_start3A_93 = tpu.memref_slice %arg11[%add3A_91, %dma_start3A_92] : memref<80x128xi32, #tpu.memory_space<vmem>> -> memref<1x128xi32, #tpu.memory_space<vmem>>
      %dma_start3A_94 = tpu.memref_squeeze %dma_start3A_93 : memref<1x128xi32, #tpu.memory_space<vmem>> -> memref<128xi32, #tpu.memory_space<vmem>>
      %dma_start3A_95 = arith.constant 0 : i32
      %dma_start3A_96 = arith.constant 0 : i32
      %dma_start3A_97 = tpu.memref_slice %arg24[%dma_start3A_95, %dma_start3A_96] : memref<10112x64xf32, #tpu.memory_space<vmem_shared>> -> memref<10112x64xf32, #tpu.memory_space<vmem_shared>>
      tpu.enqueue_indirect_dma source(%arg14 : memref<128x64xf32, #tpu.memory_space<vmem>>) target(%dma_start3A_97 : memref<10112x64xf32, #tpu.memory_space<vmem_shared>>) offsets(%dma_start3A_94 : memref<128xi32, #tpu.memory_space<vmem>>) semaphore(%arg22 : memref<!tpu.dma_semaphore, #tpu.memory_space<semaphore_mem>>) {add = true}
      %dma_start3A_98 = arith.constant 0 : i32
      %dma_start3A_99 = tpu.memref_slice %arg11[%add3A_91, %dma_start3A_98] : memref<80x128xi32, #tpu.memory_space<vmem>> -> memref<1x128xi32, #tpu.memory_space<vmem>>
      %dma_start3A_100 = tpu.memref_squeeze %dma_start3A_99 : memref<1x128xi32, #tpu.memory_space<vmem>> -> memref<128xi32, #tpu.memory_space<vmem>>
      %dma_start3A_101 = arith.constant 0 : i32
      %dma_start3A_102 = arith.constant 0 : i32
      %dma_start3A_103 = tpu.memref_slice %arg26[%dma_start3A_101, %dma_start3A_102] : memref<10112x16xf32, #tpu.memory_space<vmem_shared>> -> memref<10112x16xf32, #tpu.memory_space<vmem_shared>>
      tpu.enqueue_indirect_dma source(%arg25 : memref<128x16xf32, #tpu.memory_space<vmem>>) target(%dma_start3A_103 : memref<10112x16xf32, #tpu.memory_space<vmem_shared>>) offsets(%dma_start3A_100 : memref<128xi32, #tpu.memory_space<vmem>>) semaphore(%arg27 : memref<!tpu.dma_semaphore, #tpu.memory_space<semaphore_mem>>) {add = true}
      %dma_wait3A_104 = arith.constant 0 : i32
      %dma_wait3A_105 = arith.constant 0 : i32
      %dma_wait3A_106 = tpu.memref_slice %arg5[%dma_wait3A_104, %dma_wait3A_105] : memref<632x64xf32, #tpu.memory_space<hbm>> -> memref<128x64xf32, #tpu.memory_space<hbm>>
      %dma_wait3A_107 = arith.constant 0 : i32
      %dma_wait3A_108 = arith.constant 0 : i32
      %dma_wait3A_109 = tpu.memref_slice %arg5[%dma_wait3A_107, %dma_wait3A_108] : memref<632x64xf32, #tpu.memory_space<hbm>> -> memref<128x64xf32, #tpu.memory_space<hbm>>
      tpu.wait_dma2 semaphore(%arg19 : memref<!tpu.dma_semaphore, #tpu.memory_space<semaphore_mem>>) src(%dma_wait3A_109 : memref<128x64xf32, #tpu.memory_space<hbm>>) dst(%arg15 : memref<128x64xf32, #tpu.memory_space<vmem>>)
      %add3A_110 = arith.constant 3 : i32
      %add3A_111 = arith.addi %mul3A_44, %add3A_110 : i32
      %dma_start3A_112 = arith.constant 0 : i32
      %dma_start3A_113 = tpu.memref_slice %arg11[%add3A_111, %dma_start3A_112] : memref<80x128xi32, #tpu.memory_space<vmem>> -> memref<1x128xi32, #tpu.memory_space<vmem>>
      %dma_start3A_114 = tpu.memref_squeeze %dma_start3A_113 : memref<1x128xi32, #tpu.memory_space<vmem>> -> memref<128xi32, #tpu.memory_space<vmem>>
      %dma_start3A_115 = arith.constant 0 : i32
      %dma_start3A_116 = arith.constant 0 : i32
      %dma_start3A_117 = tpu.memref_slice %arg24[%dma_start3A_115, %dma_start3A_116] : memref<10112x64xf32, #tpu.memory_space<vmem_shared>> -> memref<10112x64xf32, #tpu.memory_space<vmem_shared>>
      tpu.enqueue_indirect_dma source(%arg15 : memref<128x64xf32, #tpu.memory_space<vmem>>) target(%dma_start3A_117 : memref<10112x64xf32, #tpu.memory_space<vmem_shared>>) offsets(%dma_start3A_114 : memref<128xi32, #tpu.memory_space<vmem>>) semaphore(%arg23 : memref<!tpu.dma_semaphore, #tpu.memory_space<semaphore_mem>>) {add = true}
      %dma_start3A_118 = arith.constant 0 : i32
      %dma_start3A_119 = tpu.memref_slice %arg11[%add3A_111, %dma_start3A_118] : memref<80x128xi32, #tpu.memory_space<vmem>> -> memref<1x128xi32, #tpu.memory_space<vmem>>
      %dma_start3A_120 = tpu.memref_squeeze %dma_start3A_119 : memref<1x128xi32, #tpu.memory_space<vmem>> -> memref<128xi32, #tpu.memory_space<vmem>>
      %dma_start3A_121 = arith.constant 0 : i32
      %dma_start3A_122 = arith.constant 0 : i32
      %dma_start3A_123 = tpu.memref_slice %arg26[%dma_start3A_121, %dma_start3A_122] : memref<10112x16xf32, #tpu.memory_space<vmem_shared>> -> memref<10112x16xf32, #tpu.memory_space<vmem_shared>>
      tpu.enqueue_indirect_dma source(%arg25 : memref<128x16xf32, #tpu.memory_space<vmem>>) target(%dma_start3A_123 : memref<10112x16xf32, #tpu.memory_space<vmem_shared>>) offsets(%dma_start3A_120 : memref<128xi32, #tpu.memory_space<vmem>>) semaphore(%arg27 : memref<!tpu.dma_semaphore, #tpu.memory_space<semaphore_mem>>) {add = true}
      %dma_wait3A_124 = arith.constant 0 : i32
      %dma_wait3A_125 = arith.constant 0 : i32
      %dma_wait3A_126 = tpu.memref_slice %arg11[%dma_wait3A_124, %dma_wait3A_125] : memref<80x128xi32, #tpu.memory_space<vmem>> -> memref<1x128xi32, #tpu.memory_space<vmem>>
      %dma_wait3A_127 = tpu.memref_squeeze %dma_wait3A_126 : memref<1x128xi32, #tpu.memory_space<vmem>> -> memref<128xi32, #tpu.memory_space<vmem>>
      %dma_wait3A_128 = arith.constant 0 : i32
      %dma_wait3A_129 = arith.constant 0 : i32
      %dma_wait3A_130 = tpu.memref_slice %arg24[%dma_wait3A_128, %dma_wait3A_129] : memref<10112x64xf32, #tpu.memory_space<vmem_shared>> -> memref<10112x64xf32, #tpu.memory_space<vmem_shared>>
      tpu.wait_indirect_dma semaphore(%arg20 : memref<!tpu.dma_semaphore, #tpu.memory_space<semaphore_mem>>) src(%arg12 : memref<128x64xf32, #tpu.memory_space<vmem>>) dst(%dma_wait3A_130 : memref<10112x64xf32, #tpu.memory_space<vmem_shared>>)
      %add3A_131 = arith.constant 4 : i32
      %add3A_132 = arith.addi %mul3A_44, %add3A_131 : i32
      %add3A_133 = arith.constant 0 : i32
      %add3A_134 = arith.addi %add3A_132, %add3A_133 : i32
      %lt3A = arith.constant 80 : i32
      %lt3A_135 = arith.cmpi slt, %add3A_134, %lt3A : i32
      %convert_element_type3A = arith.extui %lt3A_135 : i1 to i32
      %cond3A = arith.constant 0 : i32
      %cond3A_136 = arith.cmpi ne, %convert_element_type3A, %cond3A : i32
      scf.if %cond3A_136 {
        %dma_start3A_185 = arith.constant 0 : i32
        %dma_start3A_186 = tpu.memref_slice %arg10[%add3A_134, %dma_start3A_185] : memref<80x128xi32, #tpu.memory_space<vmem>> -> memref<1x128xi32, #tpu.memory_space<vmem>>
        %dma_start3A_187 = tpu.memref_squeeze %dma_start3A_186 : memref<1x128xi32, #tpu.memory_space<vmem>> -> memref<128xi32, #tpu.memory_space<vmem>>
        %dma_start3A_188 = arith.constant 0 : i32
        %dma_start3A_189 = arith.constant 0 : i32
        %dma_start3A_190 = tpu.memref_slice %arg4[%dma_start3A_188, %dma_start3A_189] : memref<10112x64xf32, #tpu.memory_space<hbm>> -> memref<10112x64xf32, #tpu.memory_space<hbm>>
        tpu.enqueue_indirect_dma source(%dma_start3A_190 : memref<10112x64xf32, #tpu.memory_space<hbm>>) target(%arg12 : memref<128x64xf32, #tpu.memory_space<vmem>>) offsets(%dma_start3A_187 : memref<128xi32, #tpu.memory_space<vmem>>) semaphore(%arg16 : memref<!tpu.dma_semaphore, #tpu.memory_space<semaphore_mem>>)
      } else {
      }
      %dma_wait3A_137 = arith.constant 0 : i32
      %dma_wait3A_138 = arith.constant 0 : i32
      %dma_wait3A_139 = tpu.memref_slice %arg11[%dma_wait3A_137, %dma_wait3A_138] : memref<80x128xi32, #tpu.memory_space<vmem>> -> memref<1x128xi32, #tpu.memory_space<vmem>>
      %dma_wait3A_140 = tpu.memref_squeeze %dma_wait3A_139 : memref<1x128xi32, #tpu.memory_space<vmem>> -> memref<128xi32, #tpu.memory_space<vmem>>
      %dma_wait3A_141 = arith.constant 0 : i32
      %dma_wait3A_142 = arith.constant 0 : i32
      %dma_wait3A_143 = tpu.memref_slice %arg24[%dma_wait3A_141, %dma_wait3A_142] : memref<10112x64xf32, #tpu.memory_space<vmem_shared>> -> memref<10112x64xf32, #tpu.memory_space<vmem_shared>>
      tpu.wait_indirect_dma semaphore(%arg21 : memref<!tpu.dma_semaphore, #tpu.memory_space<semaphore_mem>>) src(%arg13 : memref<128x64xf32, #tpu.memory_space<vmem>>) dst(%dma_wait3A_143 : memref<10112x64xf32, #tpu.memory_space<vmem_shared>>)
      %add3A_144 = arith.constant 4 : i32
      %add3A_145 = arith.addi %mul3A_44, %add3A_144 : i32
      %add3A_146 = arith.constant 1 : i32
      %add3A_147 = arith.addi %add3A_145, %add3A_146 : i32
      %lt3A_148 = arith.constant 80 : i32
      %lt3A_149 = arith.cmpi slt, %add3A_147, %lt3A_148 : i32
      %convert_element_type3A_150 = arith.extui %lt3A_149 : i1 to i32
      %cond3A_151 = arith.constant 0 : i32
      %cond3A_152 = arith.cmpi ne, %convert_element_type3A_150, %cond3A_151 : i32
      scf.if %cond3A_152 {
        %dma_start3A_185 = arith.constant 0 : i32
        %dma_start3A_186 = tpu.memref_slice %arg10[%add3A_147, %dma_start3A_185] : memref<80x128xi32, #tpu.memory_space<vmem>> -> memref<1x128xi32, #tpu.memory_space<vmem>>
        %dma_start3A_187 = tpu.memref_squeeze %dma_start3A_186 : memref<1x128xi32, #tpu.memory_space<vmem>> -> memref<128xi32, #tpu.memory_space<vmem>>
        %dma_start3A_188 = arith.constant 0 : i32
        %dma_start3A_189 = arith.constant 0 : i32
        %dma_start3A_190 = tpu.memref_slice %arg4[%dma_start3A_188, %dma_start3A_189] : memref<10112x64xf32, #tpu.memory_space<hbm>> -> memref<10112x64xf32, #tpu.memory_space<hbm>>
        tpu.enqueue_indirect_dma source(%dma_start3A_190 : memref<10112x64xf32, #tpu.memory_space<hbm>>) target(%arg13 : memref<128x64xf32, #tpu.memory_space<vmem>>) offsets(%dma_start3A_187 : memref<128xi32, #tpu.memory_space<vmem>>) semaphore(%arg17 : memref<!tpu.dma_semaphore, #tpu.memory_space<semaphore_mem>>)
      } else {
      }
      %dma_wait3A_153 = arith.constant 0 : i32
      %dma_wait3A_154 = arith.constant 0 : i32
      %dma_wait3A_155 = tpu.memref_slice %arg11[%dma_wait3A_153, %dma_wait3A_154] : memref<80x128xi32, #tpu.memory_space<vmem>> -> memref<1x128xi32, #tpu.memory_space<vmem>>
      %dma_wait3A_156 = tpu.memref_squeeze %dma_wait3A_155 : memref<1x128xi32, #tpu.memory_space<vmem>> -> memref<128xi32, #tpu.memory_space<vmem>>
      %dma_wait3A_157 = arith.constant 0 : i32
      %dma_wait3A_158 = arith.constant 0 : i32
      %dma_wait3A_159 = tpu.memref_slice %arg24[%dma_wait3A_157, %dma_wait3A_158] : memref<10112x64xf32, #tpu.memory_space<vmem_shared>> -> memref<10112x64xf32, #tpu.memory_space<vmem_shared>>
      tpu.wait_indirect_dma semaphore(%arg22 : memref<!tpu.dma_semaphore, #tpu.memory_space<semaphore_mem>>) src(%arg14 : memref<128x64xf32, #tpu.memory_space<vmem>>) dst(%dma_wait3A_159 : memref<10112x64xf32, #tpu.memory_space<vmem_shared>>)
      %add3A_160 = arith.constant 4 : i32
      %add3A_161 = arith.addi %mul3A_44, %add3A_160 : i32
      %add3A_162 = arith.constant 2 : i32
      %add3A_163 = arith.addi %add3A_161, %add3A_162 : i32
      %lt3A_164 = arith.constant 80 : i32
      %lt3A_165 = arith.cmpi slt, %add3A_163, %lt3A_164 : i32
      %convert_element_type3A_166 = arith.extui %lt3A_165 : i1 to i32
      %cond3A_167 = arith.constant 0 : i32
      %cond3A_168 = arith.cmpi ne, %convert_element_type3A_166, %cond3A_167 : i32
      scf.if %cond3A_168 {
        %dma_start3A_185 = arith.constant 0 : i32
        %dma_start3A_186 = tpu.memref_slice %arg10[%add3A_163, %dma_start3A_185] : memref<80x128xi32, #tpu.memory_space<vmem>> -> memref<1x128xi32, #tpu.memory_space<vmem>>
        %dma_start3A_187 = tpu.memref_squeeze %dma_start3A_186 : memref<1x128xi32, #tpu.memory_space<vmem>> -> memref<128xi32, #tpu.memory_space<vmem>>
        %dma_start3A_188 = arith.constant 0 : i32
        %dma_start3A_189 = arith.constant 0 : i32
        %dma_start3A_190 = tpu.memref_slice %arg4[%dma_start3A_188, %dma_start3A_189] : memref<10112x64xf32, #tpu.memory_space<hbm>> -> memref<10112x64xf32, #tpu.memory_space<hbm>>
        tpu.enqueue_indirect_dma source(%dma_start3A_190 : memref<10112x64xf32, #tpu.memory_space<hbm>>) target(%arg14 : memref<128x64xf32, #tpu.memory_space<vmem>>) offsets(%dma_start3A_187 : memref<128xi32, #tpu.memory_space<vmem>>) semaphore(%arg18 : memref<!tpu.dma_semaphore, #tpu.memory_space<semaphore_mem>>)
      } else {
      }
      %dma_wait3A_169 = arith.constant 0 : i32
      %dma_wait3A_170 = arith.constant 0 : i32
      %dma_wait3A_171 = tpu.memref_slice %arg11[%dma_wait3A_169, %dma_wait3A_170] : memref<80x128xi32, #tpu.memory_space<vmem>> -> memref<1x128xi32, #tpu.memory_space<vmem>>
      %dma_wait3A_172 = tpu.memref_squeeze %dma_wait3A_171 : memref<1x128xi32, #tpu.memory_space<vmem>> -> memref<128xi32, #tpu.memory_space<vmem>>
      %dma_wait3A_173 = arith.constant 0 : i32
      %dma_wait3A_174 = arith.constant 0 : i32
      %dma_wait3A_175 = tpu.memref_slice %arg24[%dma_wait3A_173, %dma_wait3A_174] : memref<10112x64xf32, #tpu.memory_space<vmem_shared>> -> memref<10112x64xf32, #tpu.memory_space<vmem_shared>>
      tpu.wait_indirect_dma semaphore(%arg23 : memref<!tpu.dma_semaphore, #tpu.memory_space<semaphore_mem>>) src(%arg15 : memref<128x64xf32, #tpu.memory_space<vmem>>) dst(%dma_wait3A_175 : memref<10112x64xf32, #tpu.memory_space<vmem_shared>>)
      %add3A_176 = arith.constant 4 : i32
      %add3A_177 = arith.addi %mul3A_44, %add3A_176 : i32
      %add3A_178 = arith.constant 3 : i32
      %add3A_179 = arith.addi %add3A_177, %add3A_178 : i32
      %lt3A_180 = arith.constant 80 : i32
      %lt3A_181 = arith.cmpi slt, %add3A_179, %lt3A_180 : i32
      %convert_element_type3A_182 = arith.extui %lt3A_181 : i1 to i32
      %cond3A_183 = arith.constant 0 : i32
      %cond3A_184 = arith.cmpi ne, %convert_element_type3A_182, %cond3A_183 : i32
      scf.if %cond3A_184 {
        %dma_start3A_185 = arith.constant 0 : i32
        %dma_start3A_186 = tpu.memref_slice %arg10[%add3A_179, %dma_start3A_185] : memref<80x128xi32, #tpu.memory_space<vmem>> -> memref<1x128xi32, #tpu.memory_space<vmem>>
        %dma_start3A_187 = tpu.memref_squeeze %dma_start3A_186 : memref<1x128xi32, #tpu.memory_space<vmem>> -> memref<128xi32, #tpu.memory_space<vmem>>
        %dma_start3A_188 = arith.constant 0 : i32
        %dma_start3A_189 = arith.constant 0 : i32
        %dma_start3A_190 = tpu.memref_slice %arg4[%dma_start3A_188, %dma_start3A_189] : memref<10112x64xf32, #tpu.memory_space<hbm>> -> memref<10112x64xf32, #tpu.memory_space<hbm>>
        tpu.enqueue_indirect_dma source(%dma_start3A_190 : memref<10112x64xf32, #tpu.memory_space<hbm>>) target(%arg15 : memref<128x64xf32, #tpu.memory_space<vmem>>) offsets(%dma_start3A_187 : memref<128xi32, #tpu.memory_space<vmem>>) semaphore(%arg19 : memref<!tpu.dma_semaphore, #tpu.memory_space<semaphore_mem>>)
      } else {
      }
    }
    %scan3A_34 = arith.constant 20 : i32
    %scan3A_35 = arith.constant 0 : i32
    %scan3A_36 = arith.constant 0 : i32
    %scan3A_37 = arith.constant 80 : i32
    %scan3A_38 = arith.addi %scan3A_36, %scan3A_37 : i32
    %scan3A_39 = arith.constant 1 : i32
    scf.for %scan3A_42 = %scan3A_36 to %scan3A_38 step %scan3A_39  : i32 {
      %dma_wait3A = arith.constant 0 : i32
      %dma_wait3A_43 = arith.constant 0 : i32
      %dma_wait3A_44 = tpu.memref_slice %arg11[%dma_wait3A, %dma_wait3A_43] : memref<80x128xi32, #tpu.memory_space<vmem>> -> memref<1x128xi32, #tpu.memory_space<vmem>>
      %dma_wait3A_45 = tpu.memref_squeeze %dma_wait3A_44 : memref<1x128xi32, #tpu.memory_space<vmem>> -> memref<128xi32, #tpu.memory_space<vmem>>
      %dma_wait3A_46 = arith.constant 0 : i32
      %dma_wait3A_47 = arith.constant 0 : i32
      %dma_wait3A_48 = tpu.memref_slice %arg26[%dma_wait3A_46, %dma_wait3A_47] : memref<10112x16xf32, #tpu.memory_space<vmem_shared>> -> memref<10112x16xf32, #tpu.memory_space<vmem_shared>>
      tpu.wait_indirect_dma semaphore(%arg27 : memref<!tpu.dma_semaphore, #tpu.memory_space<semaphore_mem>>) src(%arg25 : memref<128x16xf32, #tpu.memory_space<vmem>>) dst(%dma_wait3A_48 : memref<10112x16xf32, #tpu.memory_space<vmem_shared>>)
    }
    %scan3A_40 = arith.constant 80 : i32
    %barrier3A_41 = arith.constant 0 : index
    tpu.barrier barrier_id(%barrier3A_41)
    "tpu.region"() ({
      %run_scoped3A = tpu.sem_alloc : memref<!tpu.dma_semaphore, #tpu.memory_space<semaphore_mem>>
      %dma_start3A_42 = arith.constant 0 : i32
      %dma_start3A_43 = tpu.memref_slice %arg8[%arg0, %mul3A_2, %dma_start3A_42] : memref<2x10112x64xf32, #tpu.memory_space<hbm>> -> memref<1x632x64xf32, #tpu.memory_space<hbm>>
      %dma_start3A_44 = tpu.memref_squeeze %dma_start3A_43 : memref<1x632x64xf32, #tpu.memory_space<hbm>> -> memref<632x64xf32, #tpu.memory_space<hbm>>
      %dma_start3A_45 = arith.constant 0 : i32
      %dma_start3A_46 = tpu.memref_slice %arg24[%mul3A_2, %dma_start3A_45] : memref<10112x64xf32, #tpu.memory_space<vmem_shared>> -> memref<632x64xf32, #tpu.memory_space<vmem_shared>>
      tpu.enqueue_dma source(%dma_start3A_46 : memref<632x64xf32, #tpu.memory_space<vmem_shared>>) target(%dma_start3A_44 : memref<632x64xf32, #tpu.memory_space<hbm>>) target_semaphore(%run_scoped3A : memref<!tpu.dma_semaphore, #tpu.memory_space<semaphore_mem>>)
      %dma_wait3A = arith.constant 0 : i32
      %dma_wait3A_47 = tpu.memref_slice %arg8[%arg0, %mul3A_2, %dma_wait3A] : memref<2x10112x64xf32, #tpu.memory_space<hbm>> -> memref<1x632x64xf32, #tpu.memory_space<hbm>>
      %dma_wait3A_48 = tpu.memref_squeeze %dma_wait3A_47 : memref<1x632x64xf32, #tpu.memory_space<hbm>> -> memref<632x64xf32, #tpu.memory_space<hbm>>
      %dma_wait3A_49 = arith.constant 0 : i32
      %dma_wait3A_50 = tpu.memref_slice %arg24[%mul3A_2, %dma_wait3A_49] : memref<10112x64xf32, #tpu.memory_space<vmem_shared>> -> memref<632x64xf32, #tpu.memory_space<vmem_shared>>
      tpu.wait_dma2 semaphore(%run_scoped3A : memref<!tpu.dma_semaphore, #tpu.memory_space<semaphore_mem>>) src(%dma_wait3A_50 : memref<632x64xf32, #tpu.memory_space<vmem_shared>>) dst(%dma_wait3A_48 : memref<632x64xf32, #tpu.memory_space<hbm>>)
      tpu.yield
    }) : () -> ()
    "tpu.region"() ({
      %run_scoped3A = tpu.sem_alloc : memref<!tpu.dma_semaphore, #tpu.memory_space<semaphore_mem>>
      %dma_start3A_42 = arith.constant 0 : i32
      %dma_start3A_43 = tpu.memref_slice %arg9[%arg0, %mul3A_2, %dma_start3A_42] : memref<2x10112x16xf32, #tpu.memory_space<hbm>> -> memref<1x632x16xf32, #tpu.memory_space<hbm>>
      %dma_start3A_44 = tpu.memref_squeeze %dma_start3A_43 : memref<1x632x16xf32, #tpu.memory_space<hbm>> -> memref<632x16xf32, #tpu.memory_space<hbm>>
      %dma_start3A_45 = arith.constant 0 : i32
      %dma_start3A_46 = tpu.memref_slice %arg26[%mul3A_2, %dma_start3A_45] : memref<10112x16xf32, #tpu.memory_space<vmem_shared>> -> memref<632x16xf32, #tpu.memory_space<vmem_shared>>
      tpu.enqueue_dma source(%dma_start3A_46 : memref<632x16xf32, #tpu.memory_space<vmem_shared>>) target(%dma_start3A_44 : memref<632x16xf32, #tpu.memory_space<hbm>>) target_semaphore(%run_scoped3A : memref<!tpu.dma_semaphore, #tpu.memory_space<semaphore_mem>>)
      %dma_wait3A = arith.constant 0 : i32
      %dma_wait3A_47 = tpu.memref_slice %arg9[%arg0, %mul3A_2, %dma_wait3A] : memref<2x10112x16xf32, #tpu.memory_space<hbm>> -> memref<1x632x16xf32, #tpu.memory_space<hbm>>
      %dma_wait3A_48 = tpu.memref_squeeze %dma_wait3A_47 : memref<1x632x16xf32, #tpu.memory_space<hbm>> -> memref<632x16xf32, #tpu.memory_space<hbm>>
      %dma_wait3A_49 = arith.constant 0 : i32
      %dma_wait3A_50 = tpu.memref_slice %arg26[%mul3A_2, %dma_wait3A_49] : memref<10112x16xf32, #tpu.memory_space<vmem_shared>> -> memref<632x16xf32, #tpu.memory_space<vmem_shared>>
      tpu.wait_dma2 semaphore(%run_scoped3A : memref<!tpu.dma_semaphore, #tpu.memory_space<semaphore_mem>>) src(%dma_wait3A_50 : memref<632x16xf32, #tpu.memory_space<vmem_shared>>) dst(%dma_wait3A_48 : memref<632x16xf32, #tpu.memory_space<hbm>>)
      tpu.yield
    }) : () -> ()
    return
  }
}

module attributes {stable_mosaic.version = 14 : i64} {
  func.func @mm(%arg0: i32, %arg1: memref<1264x128xf32, #tpu.memory_space<vmem>>, %arg2: memref<128x128xf32, #tpu.memory_space<vmem>>, %arg3: memref<1264x128xf32, #tpu.memory_space<vmem>>) attributes {dimension_semantics = [#tpu.dimension_semantics<arbitrary>], iteration_bounds = array<i64: 8>, scalar_prefetch = 0 : i64, scratch_operands = 0 : i64, tpu.core_type = #tpu.core_type<tc>, window_params = [{transform_indices = @transform_0, window_bounds = array<i64: 1264, 128>}, {pipeline_mode = #tpu.pipeline_mode<synchronous>, transform_indices = @transform_1, window_bounds = array<i64: 128, 128>}, {transform_indices = @transform_2, window_bounds = array<i64: 1264, 128>}]} {
    %get3A = arith.constant 0 : index
    %get3A_0 = arith.constant 0 : index
    %get3A_1 = vector.load %arg1[%get3A, %get3A_0] : memref<1264x128xf32, #tpu.memory_space<vmem>>, vector<1264x128xf32>
    %get3A_2 = arith.constant 0 : index
    %get3A_3 = arith.constant 0 : index
    %get3A_4 = vector.load %arg2[%get3A_2, %get3A_3] : memref<128x128xf32, #tpu.memory_space<vmem>>, vector<128x128xf32>
    %dot_general3A = arith.constant dense<0.000000e+00> : vector<1264x128xf32>
    %dot_general3A_5 = tpu.matmul %get3A_1, %get3A_4, %dot_general3A {dimension_numbers = #tpu.dot_dimension_numbers<[1], [0], [0], [1], [0, 0, 1, 1], [], []>, transpose_lhs_hint = false} : vector<1264x128xf32>, vector<128x128xf32>, vector<1264x128xf32> -> vector<1264x128xf32>
    %swap3A = arith.constant 0 : index
    %swap3A_6 = arith.constant 0 : index
    %swap3A_7 = vector.load %arg3[%swap3A, %swap3A_6] : memref<1264x128xf32, #tpu.memory_space<vmem>>, vector<1264x128xf32>
    tpu.vector_store %arg3[%swap3A, %swap3A_6], %dot_general3A_5 {strides = array<i32>} : memref<1264x128xf32, #tpu.memory_space<vmem>>, vector<1264x128xf32>,
    return
  }
  func.func @transform_0(%arg0: i32) -> (i32, i32) {
    %c0_i32 = arith.constant 0 : i32
    %c0_i32_0 = arith.constant 0 : i32
    return %arg0, %c0_i32 : i32, i32
  }
  func.func @transform_1(%arg0: i32) -> (i32, i32) {
    %c0_i32 = arith.constant 0 : i32
    %c0_i32_0 = arith.constant 0 : i32
    %c0_i32_1 = arith.constant 0 : i32
    return %c0_i32, %c0_i32_0 : i32, i32
  }
  func.func @transform_2(%arg0: i32) -> (i32, i32) {
    %c0_i32 = arith.constant 0 : i32
    %c0_i32_0 = arith.constant 0 : i32
    return %arg0, %c0_i32 : i32, i32
  }
}

module attributes {stable_mosaic.version = 14 : i64} {
  func.func @mid(%arg0: i32, %arg1: memref<2x1264x64xf32, #tpu.memory_space<vmem>>, %arg2: memref<2x1264x16xf32, #tpu.memory_space<vmem>>, %arg3: memref<1264x128xf32, #tpu.memory_space<vmem>>, %arg4: memref<8x64xf32, #tpu.memory_space<vmem>>, %arg5: memref<64x80xf32, #tpu.memory_space<vmem>>, %arg6: memref<1264x40xf32, #tpu.memory_space<vmem>>, %arg7: memref<1264x40xf32, #tpu.memory_space<vmem>>) attributes {dimension_semantics = [#tpu.dimension_semantics<arbitrary>], iteration_bounds = array<i64: 8>, scalar_prefetch = 0 : i64, scratch_operands = 0 : i64, tpu.core_type = #tpu.core_type<tc>, window_params = [{transform_indices = @transform_0, window_bounds = array<i64: 2, 1264, 64>}, {transform_indices = @transform_1, window_bounds = array<i64: 2, 1264, 16>}, {transform_indices = @transform_2, window_bounds = array<i64: 1264, 128>}, {pipeline_mode = #tpu.pipeline_mode<synchronous>, transform_indices = @transform_3, window_bounds = array<i64: 8, 64>}, {pipeline_mode = #tpu.pipeline_mode<synchronous>, transform_indices = @transform_4, window_bounds = array<i64: 64, 80>}, {transform_indices = @transform_5, window_bounds = array<i64: 1264, 40>}, {transform_indices = @transform_6, window_bounds = array<i64: 1264, 40>}]} {
    %get3A = arith.constant 0 : index
    %get3A_0 = arith.constant 0 : index
    %get3A_1 = arith.constant 0 : index
    %get3A_2 = vector.load %arg1[%get3A, %get3A_0, %get3A_1] : memref<2x1264x64xf32, #tpu.memory_space<vmem>>, vector<1x1264x64xf32>
    %get3A_3 = vector.shape_cast %get3A_2 : vector<1x1264x64xf32> to vector<1264x64xf32>
    %get3A_4 = arith.constant 1 : index
    %get3A_5 = arith.constant 0 : index
    %get3A_6 = arith.constant 0 : index
    %get3A_7 = vector.load %arg1[%get3A_4, %get3A_5, %get3A_6] : memref<2x1264x64xf32, #tpu.memory_space<vmem>>, vector<1x1264x64xf32>
    %get3A_8 = vector.shape_cast %get3A_7 : vector<1x1264x64xf32> to vector<1264x64xf32>
    %add3A = arith.addf %get3A_3, %get3A_8 : vector<1264x64xf32>
    %get3A_9 = arith.constant 0 : index
    %get3A_10 = arith.constant 0 : index
    %get3A_11 = arith.constant 0 : index
    %get3A_12 = vector.load %arg2[%get3A_9, %get3A_10, %get3A_11] : memref<2x1264x16xf32, #tpu.memory_space<vmem>>, vector<1x1264x1xf32>
    %get3A_13 = vector.shape_cast %get3A_12 : vector<1x1264x1xf32> to vector<1264x1xf32>
    %get3A_14 = arith.constant 1 : index
    %get3A_15 = arith.constant 0 : index
    %get3A_16 = arith.constant 0 : index
    %get3A_17 = vector.load %arg2[%get3A_14, %get3A_15, %get3A_16] : memref<2x1264x16xf32, #tpu.memory_space<vmem>>, vector<1x1264x1xf32>
    %get3A_18 = vector.shape_cast %get3A_17 : vector<1x1264x1xf32> to vector<1264x1xf32>
    %add3A_19 = arith.addf %get3A_13, %get3A_18 : vector<1264x1xf32>
    %max3A = arith.constant 1.000000e+00 : f32
    %max3A_20 = vector.broadcast %max3A : f32 to vector<1264x1xf32>
    %max3A_21 = arith.maximumf %add3A_19, %max3A_20 : vector<1264x1xf32>
    %div3A = vector.broadcast %max3A_21 : vector<1264x1xf32> to vector<1264x64xf32>
    %div3A_22 = arith.divf %add3A, %div3A : vector<1264x64xf32>
    %get3A_23 = arith.constant 0 : index
    %get3A_24 = arith.constant 64 : index
    %get3A_25 = vector.load %arg3[%get3A_23, %get3A_24] : memref<1264x128xf32, #tpu.memory_space<vmem>>, vector<1264x64xf32>
    %add3A_26 = arith.addf %div3A_22, %get3A_25 : vector<1264x64xf32>
    %get3A_27 = arith.constant 0 : index
    %get3A_28 = arith.constant 0 : index
    %get3A_29 = vector.load %arg4[%get3A_27, %get3A_28] : memref<8x64xf32, #tpu.memory_space<vmem>>, vector<1x64xf32>
    %add3A_30 = vector.broadcast %get3A_29 : vector<1x64xf32> to vector<1264x64xf32>
    %add3A_31 = arith.addf %add3A_26, %add3A_30 : vector<1264x64xf32>
    %logistic3A = arith.negf %add3A_31 : vector<1264x64xf32>
    %logistic3A_32 = math.exp %logistic3A : vector<1264x64xf32>
    %logistic3A_33 = arith.constant 1.000000e+00 : f32
    %logistic3A_34 = vector.broadcast %logistic3A_33 : f32 to vector<1264x64xf32>
    %logistic3A_35 = arith.addf %logistic3A_34, %logistic3A_32 : vector<1264x64xf32>
    %logistic3A_36 = arith.divf %logistic3A_34, %logistic3A_35 : vector<1264x64xf32>
    %get3A_37 = arith.constant 0 : index
    %get3A_38 = arith.constant 0 : index
    %get3A_39 = vector.load %arg5[%get3A_37, %get3A_38] : memref<64x80xf32, #tpu.memory_space<vmem>>, vector<64x80xf32>
    %dot_general3A = arith.constant dense<0.000000e+00> : vector<1264x80xf32>
    %dot_general3A_40 = tpu.matmul %logistic3A_36, %get3A_39, %dot_general3A {dimension_numbers = #tpu.dot_dimension_numbers<[1], [0], [0], [1], [0, 0, 1, 1], [], []>, transpose_lhs_hint = false} : vector<1264x64xf32>, vector<64x80xf32>, vector<1264x80xf32> -> vector<1264x80xf32>
    %slice3A = vector.extract_strided_slice %dot_general3A_40 {offsets = [0, 0], sizes = [1264, 40], strides = [1, 1]} : vector<1264x80xf32> to vector<1264x40xf32>
    %swap3A = arith.constant 0 : index
    %swap3A_41 = arith.constant 0 : index
    %swap3A_42 = vector.load %arg6[%swap3A, %swap3A_41] : memref<1264x40xf32, #tpu.memory_space<vmem>>, vector<1264x40xf32>
    tpu.vector_store %arg6[%swap3A, %swap3A_41], %slice3A {strides = array<i32>} : memref<1264x40xf32, #tpu.memory_space<vmem>>, vector<1264x40xf32>,
    %slice3A_43 = vector.extract_strided_slice %dot_general3A_40 {offsets = [0, 40], sizes = [1264, 40], strides = [1, 1]} : vector<1264x80xf32> to vector<1264x40xf32>
    %swap3A_44 = arith.constant 0 : index
    %swap3A_45 = arith.constant 0 : index
    %swap3A_46 = vector.load %arg7[%swap3A_44, %swap3A_45] : memref<1264x40xf32, #tpu.memory_space<vmem>>, vector<1264x40xf32>
    tpu.vector_store %arg7[%swap3A_44, %swap3A_45], %slice3A_43 {strides = array<i32>} : memref<1264x40xf32, #tpu.memory_space<vmem>>, vector<1264x40xf32>,
    return
  }
  func.func @transform_0(%arg0: i32) -> (i32, i32, i32) {
    %c0_i32 = arith.constant 0 : i32
    %c0_i32_0 = arith.constant 0 : i32
    %c0_i32_1 = arith.constant 0 : i32
    return %c0_i32, %arg0, %c0_i32_0 : i32, i32, i32
  }
  func.func @transform_1(%arg0: i32) -> (i32, i32, i32) {
    %c0_i32 = arith.constant 0 : i32
    %c0_i32_0 = arith.constant 0 : i32
    %c0_i32_1 = arith.constant 0 : i32
    return %c0_i32, %arg0, %c0_i32_0 : i32, i32, i32
  }
  func.func @transform_2(%arg0: i32) -> (i32, i32) {
    %c0_i32 = arith.constant 0 : i32
    %c0_i32_0 = arith.constant 0 : i32
    return %arg0, %c0_i32 : i32, i32
  }
  func.func @transform_3(%arg0: i32) -> (i32, i32) {
    %c0_i32 = arith.constant 0 : i32
    %c0_i32_0 = arith.constant 0 : i32
    %c0_i32_1 = arith.constant 0 : i32
    return %c0_i32, %c0_i32_0 : i32, i32
  }
  func.func @transform_4(%arg0: i32) -> (i32, i32) {
    %c0_i32 = arith.constant 0 : i32
    %c0_i32_0 = arith.constant 0 : i32
    %c0_i32_1 = arith.constant 0 : i32
    return %c0_i32, %c0_i32_0 : i32, i32
  }
  func.func @transform_5(%arg0: i32) -> (i32, i32) {
    %c0_i32 = arith.constant 0 : i32
    %c0_i32_0 = arith.constant 0 : i32
    return %arg0, %c0_i32 : i32, i32
  }
  func.func @transform_6(%arg0: i32) -> (i32, i32) {
    %c0_i32 = arith.constant 0 : i32
    %c0_i32_0 = arith.constant 0 : i32
    return %arg0, %c0_i32 : i32, i32
  }
}

module attributes {stable_mosaic.version = 14 : i64} {
  func.func @post(%arg0: i32, %arg1: memref<2x1264x40xf32, #tpu.memory_space<vmem>>, %arg2: memref<2x1264x16xf32, #tpu.memory_space<vmem>>, %arg3: memref<1264x40xf32, #tpu.memory_space<vmem>>, %arg4: memref<8x40xf32, #tpu.memory_space<vmem>>, %arg5: memref<1264x40xf32, #tpu.memory_space<vmem>>) attributes {dimension_semantics = [#tpu.dimension_semantics<arbitrary>], iteration_bounds = array<i64: 8>, scalar_prefetch = 0 : i64, scratch_operands = 0 : i64, tpu.core_type = #tpu.core_type<tc>, window_params = [{transform_indices = @transform_0, window_bounds = array<i64: 2, 1264, 40>}, {transform_indices = @transform_1, window_bounds = array<i64: 2, 1264, 16>}, {transform_indices = @transform_2, window_bounds = array<i64: 1264, 40>}, {pipeline_mode = #tpu.pipeline_mode<synchronous>, transform_indices = @transform_3, window_bounds = array<i64: 8, 40>}, {transform_indices = @transform_4, window_bounds = array<i64: 1264, 40>}]} {
    %get3A = arith.constant 0 : index
    %get3A_0 = arith.constant 0 : index
    %get3A_1 = arith.constant 0 : index
    %get3A_2 = vector.load %arg1[%get3A, %get3A_0, %get3A_1] : memref<2x1264x40xf32, #tpu.memory_space<vmem>>, vector<1x1264x40xf32>
    %get3A_3 = vector.shape_cast %get3A_2 : vector<1x1264x40xf32> to vector<1264x40xf32>
    %get3A_4 = arith.constant 1 : index
    %get3A_5 = arith.constant 0 : index
    %get3A_6 = arith.constant 0 : index
    %get3A_7 = vector.load %arg1[%get3A_4, %get3A_5, %get3A_6] : memref<2x1264x40xf32, #tpu.memory_space<vmem>>, vector<1x1264x40xf32>
    %get3A_8 = vector.shape_cast %get3A_7 : vector<1x1264x40xf32> to vector<1264x40xf32>
    %add3A = arith.addf %get3A_3, %get3A_8 : vector<1264x40xf32>
    %get3A_9 = arith.constant 0 : index
    %get3A_10 = arith.constant 0 : index
    %get3A_11 = arith.constant 0 : index
    %get3A_12 = vector.load %arg2[%get3A_9, %get3A_10, %get3A_11] : memref<2x1264x16xf32, #tpu.memory_space<vmem>>, vector<1x1264x1xf32>
    %get3A_13 = vector.shape_cast %get3A_12 : vector<1x1264x1xf32> to vector<1264x1xf32>
    %get3A_14 = arith.constant 1 : index
    %get3A_15 = arith.constant 0 : index
    %get3A_16 = arith.constant 0 : index
    %get3A_17 = vector.load %arg2[%get3A_14, %get3A_15, %get3A_16] : memref<2x1264x16xf32, #tpu.memory_space<vmem>>, vector<1x1264x1xf32>
    %get3A_18 = vector.shape_cast %get3A_17 : vector<1x1264x1xf32> to vector<1264x1xf32>
    %add3A_19 = arith.addf %get3A_13, %get3A_18 : vector<1264x1xf32>
    %max3A = arith.constant 1.000000e+00 : f32
    %max3A_20 = vector.broadcast %max3A : f32 to vector<1264x1xf32>
    %max3A_21 = arith.maximumf %add3A_19, %max3A_20 : vector<1264x1xf32>
    %div3A = vector.broadcast %max3A_21 : vector<1264x1xf32> to vector<1264x40xf32>
    %div3A_22 = arith.divf %add3A, %div3A : vector<1264x40xf32>
    %get3A_23 = arith.constant 0 : index
    %get3A_24 = arith.constant 0 : index
    %get3A_25 = vector.load %arg3[%get3A_23, %get3A_24] : memref<1264x40xf32, #tpu.memory_space<vmem>>, vector<1264x40xf32>
    %add3A_26 = arith.addf %div3A_22, %get3A_25 : vector<1264x40xf32>
    %get3A_27 = arith.constant 0 : index
    %get3A_28 = arith.constant 0 : index
    %get3A_29 = vector.load %arg4[%get3A_27, %get3A_28] : memref<8x40xf32, #tpu.memory_space<vmem>>, vector<1x40xf32>
    %add3A_30 = vector.broadcast %get3A_29 : vector<1x40xf32> to vector<1264x40xf32>
    %add3A_31 = arith.addf %add3A_26, %add3A_30 : vector<1264x40xf32>
    %swap3A = arith.constant 0 : index
    %swap3A_32 = arith.constant 0 : index
    %swap3A_33 = vector.load %arg5[%swap3A, %swap3A_32] : memref<1264x40xf32, #tpu.memory_space<vmem>>, vector<1264x40xf32>
    tpu.vector_store %arg5[%swap3A, %swap3A_32], %add3A_31 {strides = array<i32>} : memref<1264x40xf32, #tpu.memory_space<vmem>>, vector<1264x40xf32>,
    return
  }
  func.func @transform_0(%arg0: i32) -> (i32, i32, i32) {
    %c0_i32 = arith.constant 0 : i32
    %c0_i32_0 = arith.constant 0 : i32
    %c0_i32_1 = arith.constant 0 : i32
    return %c0_i32, %arg0, %c0_i32_0 : i32, i32, i32
  }
  func.func @transform_1(%arg0: i32) -> (i32, i32, i32) {
    %c0_i32 = arith.constant 0 : i32
    %c0_i32_0 = arith.constant 0 : i32
    %c0_i32_1 = arith.constant 0 : i32
    return %c0_i32, %arg0, %c0_i32_0 : i32, i32, i32
  }
  func.func @transform_2(%arg0: i32) -> (i32, i32) {
    %c0_i32 = arith.constant 0 : i32
    %c0_i32_0 = arith.constant 0 : i32
    return %arg0, %c0_i32 : i32, i32
  }
  func.func @transform_3(%arg0: i32) -> (i32, i32) {
    %c0_i32 = arith.constant 0 : i32
    %c0_i32_0 = arith.constant 0 : i32
    %c0_i32_1 = arith.constant 0 : i32
    return %c0_i32, %c0_i32_0 : i32, i32
  }
  func.func @transform_4(%arg0: i32) -> (i32, i32) {
    %c0_i32 = arith.constant 0 : i32
    %c0_i32_0 = arith.constant 0 : i32
    return %arg0, %c0_i32 : i32, i32
  }
}

</mosaic_0001>

<sc_bundles>
// kernel: kernel.10.cloned.1.call-start
scs
__scs_entry_jumppad:
0x0: {  	(pc) =	sbr.rel $0x88, $3  }
0x1: {  	(tag) =	ssettag $0x0;
	lr =	simm.s32 $0x1  }
0x2: {  	[smem:$0x3F99] =	sst lr;
	_ =	strace $0xD0000000  }
0x3: {  	_ = 	snop  }
0x4: {  	_ = 	snop  }
0x5: {  	_ = 	snop  }
0x6: {  	_ = 	snop  }
0x7: {  	_ = 	snop  }
__scs_overlays_trampoline_lowered:
0x8: {  	[smem:$0x3FA8] =	sst s0  }
0x9: {  	[smem:$0x3FA9] =	sst s1  }
0xa: {  	[smem:$0x3FAA] =	sst s2  }
0xb: {  	[smem:$0x3FAB] =	sst s3  }
0xc: {  	[smem:$0x3FAC] =	sst s4  }
0xd: {  	[smem:$0x3FAD] =	sst s5  }
0xe: {  	[smem:$0x3FAE] =	sst s6  }
0xf: {  	[smem:$0x3FAF] =	sst s7  }
0x10: {  	[smem:$0x3FB0] =	sst s8  }
0x11: {  	[smem:$0x3FB1] =	sst s9;
	s0 =	simm.s32 @!p0 $0x0  }
0x12: {  	s1 =	sld [smem:$0x3F97];
	s0 =	simm.s32 @p0 $0x1  }
0x13: {  	[smem:$0x3FB2] =	sst s0;
	s0 =	simm.s32 @!p1 $0x0  }
0x14: {  	s2 =	sld [smem:$0x3F96];
	s0 =	simm.s32 @p1 $0x1  }
0x15: {  	[smem:$0x3FB3] =	sst s0;
	s0 =	simm.s32 @!p2 $0x0  }
0x16: {  	s3 =	sld [smem:$0x3FDB];
	s0 =	simm.s32 @p2 $0x1  }
0x17: {  	s4 =	simm.s32 $0x1BF5;
	[smem:$0x3FB5] =	sst s0  }
0x18: {  	s0 =	sld [smem:$0x3F98];
	_ =	swait.ge [sflag:s4], $0x0  }
0x19: {  	s7 =	sld [smem:$0x3F99]  }
0x1a: {  	s8 =	sadd.s32 $0xFFFFE003, lr  }
0x1b: {  	s9 =	sadd.s32 $0xFFFFFEF7, lr;
	s5 =	simm.s32 $0xFFFFFFFF;
	p2 =	slt.u32 s8, $0xFFFFF086  }
0x1c: {  	p1 =	slt.u32 s9, $0xF7A;
	s5 =	simm.s32 @!p2 $0x0  }
0x1d: {  	s5 =	simm.s32 @p1 $0x1;
	p0 =	seq.s32 s7, s2  }
0x1e: {  	s7 =	smul.u32 @!p0 $0xF7A, s2;
	p2 =	seq.s32 @!p0 s5, $0x0  }
0x1f: {  	s9 =	smul.u32 $0xF7A, s1;
	s8 =	simm.s32 @!p0 $0x1BF5;
	p2 =	por !p2, p0  }
0x20: {  	[sflag:s8] =	ssyncset.s32 @!p0 $0xFFFFF086;
	s6 =	sadd.s32 @!p0 s3, s7;
	s7 =	simm.s32 @!p0 $0x108  }
0x21: {  	s3 =	sadd.s32 s3, s9;
	s6 =	sadd.s32 @!p0 $0x88, s6;
	s7 =	simm.s32 @p2 $0x1082  }
0x22: {  	[simem:s7], [sflag:s8] =	dma.local @!p0 [hbm:s6], $0xF7A  }
0x23: {  	s9 =	sor.u32 $0xD0000000, s2;
	s6 =	simm.s32 $0x108;
	_ =	swait.ge @!p0 [sflag:s8], $0x0  }
0x24: {  	s3 =	sadd.s32 $0x88, s3;
	s6 =	simm.s32 @!p1 $0x1082;
	[sflag:s4] =	ssyncset.s32 $0xFFFFF086  }
0x25: {  	[simem:s6], [sflag:s4] =	dma.local [hbm:s3], $0xF7A  }
0x26: {  	[smem:$0x3F99] =	sst s1;
	(tag) =	ssettag s2;
	_ =	strace s9  }
0x27: {  	s1 =	sld [smem:$0x3FA9]  }
0x28: {  	s2 =	sld [smem:$0x3FAA]  }
0x29: {  	s4 =	sld [smem:$0x3FAC]  }
0x2a: {  	p0 =	seq.s32 s5, $0x0;
	s5 =	sld [smem:$0x3FAD]  }
0x2b: {  	s6 =	sld [smem:$0x3FAE]  }
0x2c: {  	s7 =	sld [smem:$0x3FAF]  }
0x2d: {  	s3 =	simm.s32 $0x108;
	s8 =	sld [smem:$0x3FB0]  }
0x2e: {  	s3 =	simm.s32 @!p0 $0x1082;
	s9 =	sld [smem:$0x3FB1]  }
0x2f: {  	lr =	sadd.s32 s0, s3;
	s0 =	sld [smem:$0x3FA8]  }
0x30: {  	s3 =	sld [smem:$0x3FAB]  }
0x31: {  	[smem:$0x3FB4] =	sst s10  }
0x32: {  	s10 =	sld [smem:$0x3FB2];
	_ =	sdelay $0x3  }
0x33: {  	p0 =	seq.s32 s10, $0x1;
	s10 =	sld [smem:$0x3FB4];
	_ =	sdelay $0x3  }
0x34: {  	[smem:$0x3FB4] =	sst s10  }
0x35: {  	s10 =	sld [smem:$0x3FB3];
	_ =	sdelay $0x3  }
0x36: {  	p1 =	seq.s32 s10, $0x1;
	s10 =	sld [smem:$0x3FB4];
	_ =	sdelay $0x3  }
0x37: {  	[smem:$0x3FB4] =	sst s10  }
0x38: {  	s10 =	sld [smem:$0x3FB5]  }
0x39: {  	_ = 	snop;
	(pc) =	sbr.ind lr, $3  }
0x3a: {  	_ = 	snop  }
0x3b: {  	_ = 	snop  }
0x3c: {  	p2 =	seq.s32 s10, $0x1;
	s10 =	sld [smem:$0x3FB4]  }
0x3d: {  	_ =	shalt  }
0x3e: {  	_ =	shalt  }
0x3f: {  	_ =	shalt  }
0x40: {  	_ =	shalt  }
0x41: {  	_ =	shalt  }
0x42: {  	_ =	shalt  }
0x43: {  	_ =	shalt  }
0x44: {  	_ =	shalt  }
0x45: {  	_ =	shalt  }
0x46: {  	_ =	shalt  }
0x47: {  	_ =	shalt  }
0x48: {  	_ =	shalt  }
0x49: {  	_ =	shalt  }
0x4a: {  	_ =	shalt  }
0x4b: {  	_ =	shalt  }
0x4c: {  	_ =	shalt  }
0x4d: {  	_ =	shalt  }
0x4e: {  	_ =	shalt  }
0x4f: {  	_ =	shalt  }
0x50: {  	_ =	shalt  }
0x51: {  	_ =	shalt  }
0x52: {  	_ =	shalt  }
0x53: {  	_ =	shalt  }
0x54: {  	_ =	shalt  }
0x55: {  	_ =	shalt  }
0x56: {  	_ =	shalt  }
0x57: {  	_ =	shalt  }
0x58: {  	_ =	shalt  }
0x59: {  	_ =	shalt  }
0x5a: {  	_ =	shalt  }
0x5b: {  	_ =	shalt  }
0x5c: {  	_ =	shalt  }
0x5d: {  	_ =	shalt  }
0x5e: {  	_ =	shalt  }
0x5f: {  	_ =	shalt  }
0x60: {  	_ =	shalt  }
0x61: {  	_ =	shalt  }
0x62: {  	_ =	shalt  }
0x63: {  	_ =	shalt  }
0x64: {  	_ =	shalt  }
0x65: {  	_ =	shalt  }
0x66: {  	_ =	shalt  }
0x67: {  	_ =	shalt  }
0x68: {  	_ =	shalt  }
0x69: {  	_ =	shalt  }
0x6a: {  	_ =	shalt  }
0x6b: {  	_ =	shalt  }
0x6c: {  	_ =	shalt  }
0x6d: {  	_ =	shalt  }
0x6e: {  	_ =	shalt  }
0x6f: {  	_ =	shalt  }
0x70: {  	_ =	shalt  }
0x71: {  	_ =	shalt  }
0x72: {  	_ =	shalt  }
0x73: {  	_ =	shalt  }
0x74: {  	_ =	shalt  }
0x75: {  	_ =	shalt  }
0x76: {  	_ =	shalt  }
0x77: {  	_ =	shalt  }
0x78: {  	_ =	shalt  }
0x79: {  	_ =	shalt  }
0x7a: {  	_ =	shalt  }
0x7b: {  	_ =	shalt  }
0x7c: {  	_ =	shalt  }
0x7d: {  	_ =	shalt  }
0x7e: {  	_ =	shalt  }
0x7f: {  	_ =	shalt  }
0x80: {  	_ =	shalt  }
0x81: {  	_ =	shalt  }
0x82: {  	_ =	shalt  }
0x83: {  	_ =	shalt  }
0x84: {  	_ =	shalt  }
0x85: {  	_ =	shalt  }
0x86: {  	_ =	shalt  }
0x87: {  	_ =	shalt  }
.Lfunc_end0:
.L_simem_size_0:
called_computation.1_lowered:
.L_overlay_start_0:
0x88: {  	s2 =	sld [smem:$0x3FD9]  }
0x89: {  	s3 =	sld [smem:$0x3FFE];
	_ =	sdelay $0x1  }
0x8a: {  	s1 =	srdreg.scid  }
0x8b: {  	s0 =	sand.u32 $0x1, s1  }
0x8c: {  	s17 =	sshll.u32 s0, $0xA;
	s2 =	sadd.s32 s3, s2  }
0x8d: {  	s2 =	sadd.s32 s2, s17  }
0x8e: {  	[smem:$0x3FC0] =	sst s2  }
0x8f: {  	_ = 	snop  }
0x90: {  	s2 =	sld [smem:$0x3FD0];
	(tm) =	ssettm $0x1  }
0x91: {  	s18 =	sld [smem:$0x3FFB];
	_ =	sdelay $0x3  }
0x92: {  	_ =	strace s18  }
0x93: {  	s3 =	sld [smem:$0x3FFC];
	_ =	sdelay $0x3  }
0x94: {  	_ =	strace s3  }
0x95: {  	s3 =	sld [smem:$0x3FFD];
	_ =	sdelay $0x3  }
0x96: {  	_ =	strace s3  }
0x97: {  	_ =	strace $0x8FFFFFFF  }
0x98: {  	s19 =	sld [smem:$0x3FDB];
	_ =	sdelay $0x1  }
0x99: {  	s4 =	simm.s32 $_scs_section_size  }
0x9a: {  	s5 =	simm.s32 $_size__tile_overlayer_lowered;
	s6 =	simm.s32 $_tile_overlayer_lowered  }
0x9b: {  	s22 =	simm.s32 $0x1BFF;
	s21 =	sshll.u32 s6, $0x1;
	s3 =	sadd.s32 s4, s19  }
0x9c: {  	s7 =	simm.s32 $0x0;
	s20 =	sshll.u32 s5, $0x1;
	s5 =	sadd.s32 s21, s3  }
0x9d: {  	[timem:s7], [sflag:s22] =	dma.local [hbm:s5], s20  }
0x9e: {  	_ =	swait.ge [sflag:s22], s20  }
0x9f: {  	s4 =	ssub.s32 $0x0, s20;
	[sflag:s22] =	ssyncset.done $0x0  }
0xa0: {  	[sflag:s22] =	ssyncadd.s32 s4;
	_ =	sdelay $0x1  }
0xa1: {  	s23 =	simm.s32 $0x1B8B  }
0xa2: {  	_ =	swait.ge [sflag:s23], $0x1  }
0xa3: {  	[sflag:s23] =	ssyncset.done $0x0  }
0xa4: {  	s25 =	simm.s32 $0x1B8E;
	s24 =	sld [smem:$0x3FFE];
	[sflag:s23] =	ssyncadd.s32 $0xFFFFFFFF  }
0xa5: {  	s26 =	simm.s32 $execute0_lowered;
	[smem:$0x3FD2] =	sst s25  }
0xa6: {  	s5 =	sshll.u32 s26, $0x1;
	_ =	strace $0x80000049;
	[dreg:$0x1] =	wrdreg $0xFFFFFFFF  }
0xa7: {  	s28 =	simm.s32 $_size_execute0_lowered;
	s3 =	sadd.s32 s3, s5;
	[dreg:$0x0] =	wrdreg $0x0  }
0xa8: {  	s5 =	sshll.u32 s28, $0x1;
	[dreg:$0x2] =	wrdreg s3  }
0xa9: {  	[dreg:$0x3] =	wrdreg s5  }
0xaa: {  	[dreg:$0x4] =	wrdreg $0xC0  }
0xab: {  	_ =	task [dreg:s7], $0x5FFFF  }
0xac: {  	[dreg:$0x1] =	wrdreg $0xFFFFFFFF  }
0xad: {  	[dreg:$0x0] =	wrdreg $0x60  }
0xae: {  	[dreg:$0x2] =	wrdreg s24  }
0xaf: {  	[dreg:$0x3] =	wrdreg s2  }
0xb0: {  	[dreg:$0x4] =	wrdreg $0xA0000  }
0xb1: {  	[dreg:$0x5] =	wrdreg $0x9  }
0xb2: {  	_ =	task.clear_ibuf [dreg:s7], $0x6FFFF;
	_ =	strace $0x90000049  }
0xb3: {  	s29 =	simm.s32 $0x9;
	_ =	strace $0x8000004B  }
0xb4: {  	_ =	swait.ge [sflag:s29], $0x1  }
0xb5: {  	[sflag:s29] =	ssyncadd.s32 $0xFFFFFFFF  }
0xb6: {  	_ =	strace $0x9000004B  }
0xb7: {  	_ =	sfence  }
0xb8: {  	s30 =	sld [smem:$0x0];
	_ =	sdelay $0x2  }
0xb9: {  	s31 =	sshll.u32 s1, $0xD;
	s1 =	sshrl.u32 s1, $0x2  }
0xba: {  	s3 =	sand.u32 $0x4000, s31;
	s1 =	sadd.s32 s1, s30  }
0xbb: {  	s0 =	sor.u32 s3, s0;
	s1 =	sshll.u32 s1, $0x11  }
0xbc: {  	s0 =	sor.u32 s1, s0  }
0xbd: {  	s0 =	sadd.s32 $0x8F2B, s0  }
0xbe: {  	[sflag:s0] =	ssyncadd.remote.s32 $0x1  }
0xbf: {  	_ =	sfence.sel $0xFFFF  }
0xc0: {  	[dreg:$0x0] =	wrdreg $0xFFFFFFFF;
	(pc) =	sbr.abs _section_cstart, $3  }
0xc1: {  	[dreg:$0x1] =	wrdreg $0xFFFFFFFF  }
0xc2: {  	_ =	task.clear_ibuf [dreg:s7], $0x2FFFF;
	_ =	strace $0x9FFFFFFF  }
0xc3: {  	(tm) =	ssettm $0x7FFFFFFF  }
tec
execute0_lowered:
.L_overlay_start_1:
0x0: {  	(tag) =	ssettag $0x1  }
0x1: {  	s6 =	rddreg [dreg:$0x0]  }
0x2: {  	s0 =	srdreg.scid;
	s2 =	rddreg [dreg:$0x1]  }
0x3: {  	s10 =	stileid.u32;
	s3 =	rddreg [dreg:$0x2];
	s4 =	simm.s32 $0x0  }
0x4: {  	s12 =	simm.s32 $0x9;
	s14 =	simm.s32 $0x80;
	s15 =	simm.s32 $0x5000  }
0x5: {  	s16 =	simm.s32 $0x6400;
	s18 =	simm.s32 $0x7800;
	s20 =	simm.s32 $0x8C00  }
0x6: {  	s21 =	simm.s32 $0x1;
	s22 =	simm.s32 $0x2;
	s23 =	simm.s32 $0x3  }
0x7: {  	s24 =	simm.s32 $0x4;
	s25 =	simm.s32 $0x5;
	s28 =	simm.s32 $0x7  }
0x8: {  	s29 =	simm.s32 $0x8;
	s31 =	simm.s32 $0x4E80;
	s13 =	simm.s32 $0x0  }
0x9: {  	s0 =	sand.u32 $0x1, s0;
	s1 =	sshll.u32 s10, $0x1;
	s7 =	smul.u32 $0x62C0, s10  }
0xa: {  	[smem:$0x7FF] =	sst s4;
	s30 =	sshll.u32 s10, $0x6;
	s1 =	sor.u32 s0, s1  }
0xb: {  	s5 =	smul.u32 $0x62C00, s0;
	_ =	strace $0x8000004A;
	s0 =	ssub.s32 $0x2, s0  }
0xc: {  	s1 =	smul.u32 $0x500, s1;
	s26 =	sshrl.u32 s0, $0x1;
	s11 =	sadd.s32 s7, s3  }
0xd: {  	s8 =	sadd.s32 s7, s5;
	s5 =	sadd.s32 $0x1400, s6;
	s0 =	ssub.s32 s0, s26  }
0xe: {  	s11 =	sshrl.u32 s11, $0x3;
	s26 =	simm.s32 $0x6;
	s1 =	sadd.s32 s1, s6  }
0xf: {  	s8 =	sshrl.u32 s8, $0x3;
	s10 =	smax.u32 s0, $0x1;
	s0 =	simm.s32 $0x4F80  }
0x10: {  	s9 =	sadd.s32 s8, s6;
	s6 =	sor.u32 $0x1C09, s30;
	s7 =	sadd.s32 $0x1F000, s1  }
0x11: {  	s8 =	sadd.s32 $0x15000, s1;
	s1 =	simm.s32 $0x4F00;
	s9 =	sadd.s32 $0x29000, s9  }
.LBB2_1:
0x12: {  	[spmem:s11], [sflag:s6] =	dma.local [hbm:s5], $0xC58  }
0x13: {  	_ =	swait.ge [sflag:s12], $0xC58  }
0x14: {  	[sflag:s12] =	ssyncset.done $0x0  }
0x15: {  	[sflag:s12] =	ssyncadd.s32 $0xFFFFF3A8  }
0x16: {  	[tilespmem:s4], [sflag:$0x9] =	stream.linear.gather [hbm4b:s7+s4], $0x2800, $0x38;
	[tilespmem:$0x102C0] =	vst v63  }
0x17: {  	_ =	swait.ge [sflag:s12], $0x2800  }
0x18: {  	[sflag:s12] =	ssyncset.done $0x0  }
0x19: {  	s17 =	simm.s32 $0x2800;
	[sflag:s12] =	ssyncadd.s32 $0xFFFFD800  }
0x1a: {  	[tilespmem:s17], [sflag:$0x9] =	stream.linear.gather [hbm4b:s8+s4], $0x2800, $0x38;
	[tilespmem:$0x102C0] =	vst v63  }
0x1b: {  	_ =	swait.ge [sflag:s12], $0x2800  }
0x1c: {  	[sflag:s12] =	ssyncset.done $0x0  }
0x1d: {  	[sflag:s12] =	ssyncadd.s32 $0xFFFFD800  }
0x1e: {  	[bflag:$0x0] =	sbarrier.arrive $0xFFFF  }
0x1f: {  	[tilespmem:s15], [sflag:$0x1] =	stream.indirect.gather [hbm4b:s2+s14], $0x28, s4, s14, $0xb8;
	[tilespmem:$0x102C0] =	vst v63  }
0x20: {  	_ = 	snop  }
0x21: {  	[tilespmem:s16], [sflag:$0x2] =	stream.indirect.gather [hbm4b:s2+s14], $0x28, s14, s14, $0xb8;
	[tilespmem:$0x102C0] =	vst v63  }
0x22: {  	s30 =	simm.s32 $0x100  }
0x23: {  	[tilespmem:s18], [sflag:$0x3] =	stream.indirect.gather [hbm4b:s2+s14], $0x28, s30, s14, $0xb8;
	[tilespmem:$0x102C0] =	vst v63  }
0x24: {  	s19 =	simm.s32 $0x180  }
0x25: {  	[tilespmem:s20], [sflag:$0x4] =	stream.indirect.gather [hbm4b:s2+s14], $0x28, s19, s14, $0xb8;
	[tilespmem:$0x102C0] =	vst v63  }
0x26: {  	_ =	swait.ge [sflag:s21], $0x1400  }
0x27: {  	[sflag:s21] =	ssyncset.done $0x0  }
0x28: {  	s30 =	simm.s32 $0x2800;
	[sflag:s21] =	ssyncadd.s32 $0xFFFFEC00  }
0x29: {  	[spmem:s3] =	stream.indirect.scatter.add.f32 [tilespmem:s15], [sflag:$0x5], $0x28, s30, s14, $0xb8;
	[tilespmem:$0x102C0] =	vst v63  }
0x2a: {  	_ =	swait.ge [sflag:s22], $0x1400  }
0x2b: {  	[sflag:s22] =	ssyncset.done $0x0  }
0x2c: {  	s19 =	simm.s32 $0x2880;
	[sflag:s22] =	ssyncadd.s32 $0xFFFFEC00  }
0x2d: {  	[spmem:s3] =	stream.indirect.scatter.add.f32 [tilespmem:s16], [sflag:$0x6], $0x28, s19, s14, $0xb8;
	[tilespmem:$0x102C0] =	vst v63  }
0x2e: {  	_ =	swait.ge [sflag:s23], $0x1400  }
0x2f: {  	[sflag:s23] =	ssyncset.done $0x0  }
0x30: {  	s30 =	simm.s32 $0x2900;
	[sflag:s23] =	ssyncadd.s32 $0xFFFFEC00  }
0x31: {  	[spmem:s3] =	stream.indirect.scatter.add.f32 [tilespmem:s18], [sflag:$0x7], $0x28, s30, s14, $0xb8;
	[tilespmem:$0x102C0] =	vst v63  }
0x32: {  	_ =	swait.ge [sflag:s24], $0x1400  }
0x33: {  	[sflag:s24] =	ssyncset.done $0x0  }
0x34: {  	s19 =	simm.s32 $0x2980;
	[sflag:s24] =	ssyncadd.s32 $0xFFFFEC00  }
0x35: {  	[spmem:s3] =	stream.indirect.scatter.add.f32 [tilespmem:s20], [sflag:$0x8], $0x28, s19, s14, $0xb8;
	[tilespmem:$0x102C0] =	vst v63  }
0x36: {  	_ =	swait.ge [sflag:s25], $0x1400  }
0x37: {  	[sflag:s25] =	ssyncset.done $0x0  }
0x38: {  	s30 =	simm.s32 $0x200;
	[sflag:s25] =	ssyncadd.s32 $0xFFFFEC00  }
0x39: {  	[tilespmem:s15], [sflag:$0x1] =	stream.indirect.gather [hbm4b:s2+s14], $0x28, s30, s14, $0xb8;
	[tilespmem:$0x102C0] =	vst v63  }
0x3a: {  	_ =	swait.ge [sflag:s26], $0x1400  }
0x3b: {  	[sflag:s26] =	ssyncset.done $0x0  }
0x3c: {  	s19 =	simm.s32 $0x280;
	[sflag:s26] =	ssyncadd.s32 $0xFFFFEC00  }
0x3d: {  	[tilespmem:s16], [sflag:$0x2] =	stream.indirect.gather [hbm4b:s2+s14], $0x28, s19, s14, $0xb8;
	[tilespmem:$0x102C0] =	vst v63  }
0x3e: {  	_ =	swait.ge [sflag:s28], $0x1400  }
0x3f: {  	[sflag:s28] =	ssyncset.done $0x0  }
0x40: {  	s30 =	simm.s32 $0x300;
	[sflag:s28] =	ssyncadd.s32 $0xFFFFEC00  }
0x41: {  	[tilespmem:s18], [sflag:$0x3] =	stream.indirect.gather [hbm4b:s2+s14], $0x28, s30, s14, $0xb8;
	[tilespmem:$0x102C0] =	vst v63  }
0x42: {  	_ =	swait.ge [sflag:s29], $0x1400  }
0x43: {  	[sflag:s29] =	ssyncset.done $0x0  }
0x44: {  	s17 =	simm.s32 $0x800;
	s19 =	simm.s32 $0x380;
	[sflag:s29] =	ssyncadd.s32 $0xFFFFEC00  }
.LBB2_2:
0x45: {  	[tilespmem:s20], [sflag:$0x4] =	stream.indirect.gather [hbm4b:s2+s14], $0x28, s19, s14, $0xb8;
	[tilespmem:$0x102C0] =	vst v63  }
0x46: {  	s19 =	smov.u32 s17  }
0x47: {  	p0 =	sne.s32 s17, $0x9000;
	s17 =	sadd.s32 $0x800, s17;
	_ =	swait.ge [sflag:s21], $0x1400  }
0x48: {  	s19 =	sshra.s32 s19, $0x2;
	[sflag:s21] =	ssyncset.done $0x0  }
0x49: {  	s30 =	sadd.s32 $0x2800, s19;
	[sflag:s21] =	ssyncadd.s32 $0xFFFFEC00  }
0x4a: {  	[spmem:s3] =	stream.indirect.scatter.add.f32 [tilespmem:s15], [sflag:$0x5], $0x28, s30, s14, $0xb8;
	[tilespmem:$0x102C0] =	vst v63  }
0x4b: {  	_ =	swait.ge [sflag:s22], $0x1400  }
0x4c: {  	[sflag:s22] =	ssyncset.done $0x0  }
0x4d: {  	s30 =	sadd.s32 $0x2880, s19;
	[sflag:s22] =	ssyncadd.s32 $0xFFFFEC00  }
0x4e: {  	[spmem:s3] =	stream.indirect.scatter.add.f32 [tilespmem:s16], [sflag:$0x6], $0x28, s30, s14, $0xb8;
	[tilespmem:$0x102C0] =	vst v63  }
0x4f: {  	_ =	swait.ge [sflag:s23], $0x1400  }
0x50: {  	[sflag:s23] =	ssyncset.done $0x0  }
0x51: {  	s30 =	sadd.s32 $0x2900, s19;
	[sflag:s23] =	ssyncadd.s32 $0xFFFFEC00  }
0x52: {  	[spmem:s3] =	stream.indirect.scatter.add.f32 [tilespmem:s18], [sflag:$0x7], $0x28, s30, s14, $0xb8;
	[tilespmem:$0x102C0] =	vst v63  }
0x53: {  	_ =	swait.ge [sflag:s24], $0x1400  }
0x54: {  	[sflag:s24] =	ssyncset.done $0x0  }
0x55: {  	s30 =	sadd.s32 $0x2980, s19;
	[sflag:s24] =	ssyncadd.s32 $0xFFFFEC00  }
0x56: {  	[spmem:s3] =	stream.indirect.scatter.add.f32 [tilespmem:s20], [sflag:$0x8], $0x28, s30, s14, $0xb8;
	[tilespmem:$0x102C0] =	vst v63  }
0x57: {  	_ =	swait.ge [sflag:s25], $0x1400  }
0x58: {  	[sflag:s25] =	ssyncset.done $0x0  }
0x59: {  	s30 =	sadd.s32 $0x200, s19;
	[sflag:s25] =	ssyncadd.s32 $0xFFFFEC00  }
0x5a: {  	[tilespmem:s15], [sflag:$0x1] =	stream.indirect.gather [hbm4b:s2+s14], $0x28, s30, s14, $0xb8;
	[tilespmem:$0x102C0] =	vst v63  }
0x5b: {  	_ =	swait.ge [sflag:s26], $0x1400  }
0x5c: {  	[sflag:s26] =	ssyncset.done $0x0  }
0x5d: {  	s30 =	sadd.s32 $0x280, s19;
	[sflag:s26] =	ssyncadd.s32 $0xFFFFEC00  }
0x5e: {  	[tilespmem:s16], [sflag:$0x2] =	stream.indirect.gather [hbm4b:s2+s14], $0x28, s30, s14, $0xb8;
	[tilespmem:$0x102C0] =	vst v63  }
0x5f: {  	_ =	swait.ge [sflag:s28], $0x1400  }
0x60: {  	[sflag:s28] =	ssyncset.done $0x0  }
.Ltmp0:
0x61: {  	s30 =	sadd.s32 $0x300, s19;
	[sflag:s28] =	ssyncadd.s32 $0xFFFFEC00;
	(pc) =	sbr.rel @p0 .LBB2_2-.Ltmp0, $4  }
0x62: {  	[tilespmem:s18], [sflag:$0x3] =	stream.indirect.gather [hbm4b:s2+s14], $0x28, s30, s14, $0xb8;
	[tilespmem:$0x102C0] =	vst v63  }
0x63: {  	_ =	swait.ge [sflag:s29], $0x1400  }
0x64: {  	[sflag:s29] =	ssyncset.done $0x0  }
0x65: {  	s19 =	sadd.s32 $0x380, s19;
	[sflag:s29] =	ssyncadd.s32 $0xFFFFEC00  }
0x66: {  	[tilespmem:s20], [sflag:$0x4] =	stream.indirect.gather [hbm4b:s2+s14], $0x28, s19, s14, $0xb8;
	[tilespmem:$0x102C0] =	vst v63  }
0x67: {  	_ =	swait.ge [sflag:s21], $0x1400  }
0x68: {  	[sflag:s21] =	ssyncset.done $0x0  }
0x69: {  	s17 =	simm.s32 $0x4E00;
	[sflag:s21] =	ssyncadd.s32 $0xFFFFEC00  }
0x6a: {  	[spmem:s3] =	stream.indirect.scatter.add.f32 [tilespmem:s15], [sflag:$0x5], $0x28, s17, s14, $0xb8;
	[tilespmem:$0x102C0] =	vst v63  }
0x6b: {  	_ =	swait.ge [sflag:s22], $0x1400  }
0x6c: {  	[sflag:s22] =	ssyncset.done $0x0  }
0x6d: {  	[sflag:s22] =	ssyncadd.s32 $0xFFFFEC00  }
0x6e: {  	[spmem:s3] =	stream.indirect.scatter.add.f32 [tilespmem:s16], [sflag:$0x6], $0x28, s31, s14, $0xb8;
	[tilespmem:$0x102C0] =	vst v63  }
0x6f: {  	_ =	swait.ge [sflag:s23], $0x1400  }
0x70: {  	[sflag:s23] =	ssyncset.done $0x0  }
0x71: {  	[sflag:s23] =	ssyncadd.s32 $0xFFFFEC00  }
0x72: {  	[spmem:s3] =	stream.indirect.scatter.add.f32 [tilespmem:s18], [sflag:$0x7], $0x28, s1, s14, $0xb8;
	[tilespmem:$0x102C0] =	vst v63  }
0x73: {  	_ =	swait.ge [sflag:s24], $0x1400  }
0x74: {  	[sflag:s24] =	ssyncset.done $0x0  }
0x75: {  	[sflag:s24] =	ssyncadd.s32 $0xFFFFEC00  }
0x76: {  	[spmem:s3] =	stream.indirect.scatter.add.f32 [tilespmem:s20], [sflag:$0x8], $0x28, s0, s14, $0xb8;
	[tilespmem:$0x102C0] =	vst v63  }
0x77: {  	_ =	swait.ge [sflag:s25], $0x1400  }
0x78: {  	[sflag:s25] =	ssyncset.done $0x0  }
0x79: {  	[sflag:s25] =	ssyncadd.s32 $0xFFFFEC00  }
0x7a: {  	_ =	swait.ge [sflag:s26], $0x1400  }
0x7b: {  	[sflag:s26] =	ssyncset.done $0x0  }
0x7c: {  	[sflag:s26] =	ssyncadd.s32 $0xFFFFEC00  }
0x7d: {  	_ =	swait.ge [sflag:s28], $0x1400  }
0x7e: {  	[sflag:s28] =	ssyncset.done $0x0  }
0x7f: {  	[sflag:s28] =	ssyncadd.s32 $0xFFFFEC00  }
0x80: {  	_ =	swait.ge [sflag:s29], $0x1400  }
0x81: {  	s13 =	sadd.s32 $0x1, s13;
	[sflag:s29] =	ssyncset.done $0x0  }
0x82: {  	p0 =	sne.s32 s13, s10;
	[sflag:s29] =	ssyncadd.s32 $0xFFFFEC00  }
.Ltmp1:
0x83: {  	[bflag:$0x0] =	sbarrier.arrive $0xFFFF;
	(pc) =	sbr.rel @p0 .LBB2_1-.Ltmp1, $4  }
0x84: {  	[hbm:s9], [sflag:s6] =	dma.local [spmem:s11], $0xC58  }
0x85: {  	_ =	swait.ge [sflag:s12], $0xC58  }
0x86: {  	[sflag:s12] =	ssyncset.done $0x0  }
0x87: {  	[sflag:s12] =	ssyncadd.s32 $0xFFFFF3A8  }
0x88: {  	_ =	sfence.sel $0x180000  }
0x89: {  	[bflag:$0x0] =	sbarrier.arrive $0xFFFF  }
0x8a: {  	_ =	strace $0x9000004A  }
0x8b: {  	s0 =	stileid.u32;
	[bflag:$0x2] =	sbarrier.arrive $0xFFFF  }
0x8c: {  	p0 =	sne.s32 s0, $0x0;
	s0 =	rddreg [dreg:$0x3]  }
0x8d: {  	s0 =	sadd.s32 @!p0 $0x100000, s0  }
0x8e: {  	[sflag:s0] =	ssyncadd.tile.s32 @!p0 $0x1;
	_ =	shalt  }
.Lfunc_end2:
_tile_overlayer_lowered:
.L_overlay_start_2:
0x8f: {  	(tag) =	ssettag $0x2  }
0x90: {  	s0 =	rddreg [dreg:$0x0];
	s2 =	stileid.u32  }
0x91: {  	s1 =	rddreg [dreg:$0x1];
	p0 =	sne.s32 s2, $0x0  }
0x92: {  	s3 =	rddreg [dreg:$0x2];
	[bflag:$0x3] =	sbarrier.arrive $0xFFFF;
	s2 =	simm.s32 @!p0 $0x1C09  }
0x93: {  	[timem:s3], [sflag:s2] =	dma.local @!p0 [hbm:s0], s1  }
0x94: {  	s0 =	simm.s32 @!p0 $0x9  }
0x95: {  	_ =	swait.ge @!p0 [sflag:s0], s1  }
0x96: {  	s1 =	ssub.s32 @!p0 $0x0, s1;
	[sflag:s0] =	ssyncset.done @!p0 $0x0  }
0x97: {  	[sflag:s0] =	ssyncadd.s32 @!p0 s1  }
0x98: {  	[bflag:$0x3] =	sbarrier.arrive $0xFFFF  }
0x99: {  	_ =	shalt  }

// kernel: kernel.7.cloned.1.call-start
scs
__scs_entry_jumppad:
0x0: {  	(pc) =	sbr.rel $0x88, $3  }
0x1: {  	(tag) =	ssettag $0x0;
	lr =	simm.s32 $0x1  }
0x2: {  	[smem:$0x3F99] =	sst lr;
	_ =	strace $0xD0000000  }
0x3: {  	_ = 	snop  }
0x4: {  	_ = 	snop  }
0x5: {  	_ = 	snop  }
0x6: {  	_ = 	snop  }
0x7: {  	_ = 	snop  }
__scs_overlays_trampoline_lowered:
0x8: {  	[smem:$0x3FA8] =	sst s0  }
0x9: {  	[smem:$0x3FA9] =	sst s1  }
0xa: {  	[smem:$0x3FAA] =	sst s2  }
0xb: {  	[smem:$0x3FAB] =	sst s3  }
0xc: {  	[smem:$0x3FAC] =	sst s4  }
0xd: {  	[smem:$0x3FAD] =	sst s5  }
0xe: {  	[smem:$0x3FAE] =	sst s6  }
0xf: {  	[smem:$0x3FAF] =	sst s7  }
0x10: {  	[smem:$0x3FB0] =	sst s8  }
0x11: {  	[smem:$0x3FB1] =	sst s9;
	s0 =	simm.s32 @!p0 $0x0  }
0x12: {  	s1 =	sld [smem:$0x3F97];
	s0 =	simm.s32 @p0 $0x1  }
0x13: {  	[smem:$0x3FB2] =	sst s0;
	s0 =	simm.s32 @!p1 $0x0  }
0x14: {  	s2 =	sld [smem:$0x3F96];
	s0 =	simm.s32 @p1 $0x1  }
0x15: {  	[smem:$0x3FB3] =	sst s0;
	s0 =	simm.s32 @!p2 $0x0  }
0x16: {  	s3 =	sld [smem:$0x3FDB];
	s0 =	simm.s32 @p2 $0x1  }
0x17: {  	s4 =	simm.s32 $0x1BF5;
	[smem:$0x3FB5] =	sst s0  }
0x18: {  	s0 =	sld [smem:$0x3F98];
	_ =	swait.ge [sflag:s4], $0x0  }
0x19: {  	s7 =	sld [smem:$0x3F99]  }
0x1a: {  	s8 =	sadd.s32 $0xFFFFE003, lr  }
0x1b: {  	s9 =	sadd.s32 $0xFFFFFEF7, lr;
	s5 =	simm.s32 $0xFFFFFFFF;
	p2 =	slt.u32 s8, $0xFFFFF086  }
0x1c: {  	p1 =	slt.u32 s9, $0xF7A;
	s5 =	simm.s32 @!p2 $0x0  }
0x1d: {  	s5 =	simm.s32 @p1 $0x1;
	p0 =	seq.s32 s7, s2  }
0x1e: {  	s7 =	smul.u32 @!p0 $0xF7A, s2;
	p2 =	seq.s32 @!p0 s5, $0x0  }
0x1f: {  	s9 =	smul.u32 $0xF7A, s1;
	s8 =	simm.s32 @!p0 $0x1BF5;
	p2 =	por !p2, p0  }
0x20: {  	[sflag:s8] =	ssyncset.s32 @!p0 $0xFFFFF086;
	s6 =	sadd.s32 @!p0 s3, s7;
	s7 =	simm.s32 @!p0 $0x108  }
0x21: {  	s3 =	sadd.s32 s3, s9;
	s6 =	sadd.s32 @!p0 $0x88, s6;
	s7 =	simm.s32 @p2 $0x1082  }
0x22: {  	[simem:s7], [sflag:s8] =	dma.local @!p0 [hbm:s6], $0xF7A  }
0x23: {  	s9 =	sor.u32 $0xD0000000, s2;
	s6 =	simm.s32 $0x108;
	_ =	swait.ge @!p0 [sflag:s8], $0x0  }
0x24: {  	s3 =	sadd.s32 $0x88, s3;
	s6 =	simm.s32 @!p1 $0x1082;
	[sflag:s4] =	ssyncset.s32 $0xFFFFF086  }
0x25: {  	[simem:s6], [sflag:s4] =	dma.local [hbm:s3], $0xF7A  }
0x26: {  	[smem:$0x3F99] =	sst s1;
	(tag) =	ssettag s2;
	_ =	strace s9  }
0x27: {  	s1 =	sld [smem:$0x3FA9]  }
0x28: {  	s2 =	sld [smem:$0x3FAA]  }
0x29: {  	s4 =	sld [smem:$0x3FAC]  }
0x2a: {  	p0 =	seq.s32 s5, $0x0;
	s5 =	sld [smem:$0x3FAD]  }
0x2b: {  	s6 =	sld [smem:$0x3FAE]  }
0x2c: {  	s7 =	sld [smem:$0x3FAF]  }
0x2d: {  	s3 =	simm.s32 $0x108;
	s8 =	sld [smem:$0x3FB0]  }
0x2e: {  	s3 =	simm.s32 @!p0 $0x1082;
	s9 =	sld [smem:$0x3FB1]  }
0x2f: {  	lr =	sadd.s32 s0, s3;
	s0 =	sld [smem:$0x3FA8]  }
0x30: {  	s3 =	sld [smem:$0x3FAB]  }
0x31: {  	[smem:$0x3FB4] =	sst s10  }
0x32: {  	s10 =	sld [smem:$0x3FB2];
	_ =	sdelay $0x3  }
0x33: {  	p0 =	seq.s32 s10, $0x1;
	s10 =	sld [smem:$0x3FB4];
	_ =	sdelay $0x3  }
0x34: {  	[smem:$0x3FB4] =	sst s10  }
0x35: {  	s10 =	sld [smem:$0x3FB3];
	_ =	sdelay $0x3  }
0x36: {  	p1 =	seq.s32 s10, $0x1;
	s10 =	sld [smem:$0x3FB4];
	_ =	sdelay $0x3  }
0x37: {  	[smem:$0x3FB4] =	sst s10  }
0x38: {  	s10 =	sld [smem:$0x3FB5]  }
0x39: {  	_ = 	snop;
	(pc) =	sbr.ind lr, $3  }
0x3a: {  	_ = 	snop  }
0x3b: {  	_ = 	snop  }
0x3c: {  	p2 =	seq.s32 s10, $0x1;
	s10 =	sld [smem:$0x3FB4]  }
0x3d: {  	_ =	shalt  }
0x3e: {  	_ =	shalt  }
0x3f: {  	_ =	shalt  }
0x40: {  	_ =	shalt  }
0x41: {  	_ =	shalt  }
0x42: {  	_ =	shalt  }
0x43: {  	_ =	shalt  }
0x44: {  	_ =	shalt  }
0x45: {  	_ =	shalt  }
0x46: {  	_ =	shalt  }
0x47: {  	_ =	shalt  }
0x48: {  	_ =	shalt  }
0x49: {  	_ =	shalt  }
0x4a: {  	_ =	shalt  }
0x4b: {  	_ =	shalt  }
0x4c: {  	_ =	shalt  }
0x4d: {  	_ =	shalt  }
0x4e: {  	_ =	shalt  }
0x4f: {  	_ =	shalt  }
0x50: {  	_ =	shalt  }
0x51: {  	_ =	shalt  }
0x52: {  	_ =	shalt  }
0x53: {  	_ =	shalt  }
0x54: {  	_ =	shalt  }
0x55: {  	_ =	shalt  }
0x56: {  	_ =	shalt  }
0x57: {  	_ =	shalt  }
0x58: {  	_ =	shalt  }
0x59: {  	_ =	shalt  }
0x5a: {  	_ =	shalt  }
0x5b: {  	_ =	shalt  }
0x5c: {  	_ =	shalt  }
0x5d: {  	_ =	shalt  }
0x5e: {  	_ =	shalt  }
0x5f: {  	_ =	shalt  }
0x60: {  	_ =	shalt  }
0x61: {  	_ =	shalt  }
0x62: {  	_ =	shalt  }
0x63: {  	_ =	shalt  }
0x64: {  	_ =	shalt  }
0x65: {  	_ =	shalt  }
0x66: {  	_ =	shalt  }
0x67: {  	_ =	shalt  }
0x68: {  	_ =	shalt  }
0x69: {  	_ =	shalt  }
0x6a: {  	_ =	shalt  }
0x6b: {  	_ =	shalt  }
0x6c: {  	_ =	shalt  }
0x6d: {  	_ =	shalt  }
0x6e: {  	_ =	shalt  }
0x6f: {  	_ =	shalt  }
0x70: {  	_ =	shalt  }
0x71: {  	_ =	shalt  }
0x72: {  	_ =	shalt  }
0x73: {  	_ =	shalt  }
0x74: {  	_ =	shalt  }
0x75: {  	_ =	shalt  }
0x76: {  	_ =	shalt  }
0x77: {  	_ =	shalt  }
0x78: {  	_ =	shalt  }
0x79: {  	_ =	shalt  }
0x7a: {  	_ =	shalt  }
0x7b: {  	_ =	shalt  }
0x7c: {  	_ =	shalt  }
0x7d: {  	_ =	shalt  }
0x7e: {  	_ =	shalt  }
0x7f: {  	_ =	shalt  }
0x80: {  	_ =	shalt  }
0x81: {  	_ =	shalt  }
0x82: {  	_ =	shalt  }
0x83: {  	_ =	shalt  }
0x84: {  	_ =	shalt  }
0x85: {  	_ =	shalt  }
0x86: {  	_ =	shalt  }
0x87: {  	_ =	shalt  }
.Lfunc_end0:
.L_simem_size_0:
called_computation_lowered:
.L_overlay_start_0:
0x88: {  	s2 =	sld [smem:$0x3FD9]  }
0x89: {  	s3 =	sld [smem:$0x3FFE];
	_ =	sdelay $0x1  }
0x8a: {  	s1 =	srdreg.scid  }
0x8b: {  	s0 =	sand.u32 $0x1, s1  }
0x8c: {  	s17 =	sshll.u32 s0, $0xA;
	s2 =	sadd.s32 s3, s2  }
0x8d: {  	s2 =	sadd.s32 s2, s17  }
0x8e: {  	[smem:$0x3FC0] =	sst s2  }
0x8f: {  	_ = 	snop  }
0x90: {  	s2 =	sld [smem:$0x3FD0];
	(tm) =	ssettm $0x1  }
0x91: {  	s18 =	sld [smem:$0x3FFB];
	_ =	sdelay $0x3  }
0x92: {  	_ =	strace s18  }
0x93: {  	s3 =	sld [smem:$0x3FFC];
	_ =	sdelay $0x3  }
0x94: {  	_ =	strace s3  }
0x95: {  	s3 =	sld [smem:$0x3FFD];
	_ =	sdelay $0x3  }
0x96: {  	_ =	strace s3  }
0x97: {  	_ =	strace $0x8FFFFFFF  }
0x98: {  	s19 =	sld [smem:$0x3FDB];
	_ =	sdelay $0x1  }
0x99: {  	s4 =	simm.s32 $_scs_section_size  }
0x9a: {  	s5 =	simm.s32 $_size__tile_overlayer_lowered;
	s6 =	simm.s32 $_tile_overlayer_lowered  }
0x9b: {  	s22 =	simm.s32 $0x1BFF;
	s21 =	sshll.u32 s6, $0x1;
	s3 =	sadd.s32 s4, s19  }
0x9c: {  	s7 =	simm.s32 $0x0;
	s20 =	sshll.u32 s5, $0x1;
	s5 =	sadd.s32 s21, s3  }
0x9d: {  	[timem:s7], [sflag:s22] =	dma.local [hbm:s5], s20  }
0x9e: {  	_ =	swait.ge [sflag:s22], s20  }
0x9f: {  	s4 =	ssub.s32 $0x0, s20;
	[sflag:s22] =	ssyncset.done $0x0  }
0xa0: {  	[sflag:s22] =	ssyncadd.s32 s4;
	_ =	sdelay $0x1  }
0xa1: {  	s23 =	simm.s32 $0x1B8B  }
0xa2: {  	_ =	swait.ge [sflag:s23], $0x1  }
0xa3: {  	[sflag:s23] =	ssyncset.done $0x0  }
0xa4: {  	s25 =	simm.s32 $0x1B8E;
	s24 =	sld [smem:$0x3FFE];
	[sflag:s23] =	ssyncadd.s32 $0xFFFFFFFF  }
0xa5: {  	s26 =	simm.s32 $execute0_lowered;
	[smem:$0x3FD2] =	sst s25  }
0xa6: {  	s5 =	sshll.u32 s26, $0x1;
	_ =	strace $0x80000046;
	[dreg:$0x1] =	wrdreg $0xFFFFFFFF  }
0xa7: {  	s28 =	simm.s32 $_size_execute0_lowered;
	s3 =	sadd.s32 s3, s5;
	[dreg:$0x0] =	wrdreg $0x0  }
0xa8: {  	s5 =	sshll.u32 s28, $0x1;
	[dreg:$0x2] =	wrdreg s3  }
0xa9: {  	[dreg:$0x3] =	wrdreg s5  }
0xaa: {  	[dreg:$0x4] =	wrdreg $0xC0  }
0xab: {  	_ =	task [dreg:s7], $0x5FFFF  }
0xac: {  	[dreg:$0x1] =	wrdreg $0xFFFFFFFF  }
0xad: {  	[dreg:$0x0] =	wrdreg $0x60  }
0xae: {  	[dreg:$0x2] =	wrdreg s24  }
0xaf: {  	[dreg:$0x3] =	wrdreg s2  }
0xb0: {  	[dreg:$0x4] =	wrdreg $0xD0000  }
0xb1: {  	[dreg:$0x5] =	wrdreg $0x176000  }
0xb2: {  	[dreg:$0x6] =	wrdreg $0x9  }
0xb3: {  	_ =	task.clear_ibuf [dreg:s7], $0x7FFFF;
	_ =	strace $0x90000046  }
0xb4: {  	s29 =	simm.s32 $0x9;
	_ =	strace $0x80000048  }
0xb5: {  	_ =	swait.ge [sflag:s29], $0x1  }
0xb6: {  	[sflag:s29] =	ssyncadd.s32 $0xFFFFFFFF  }
0xb7: {  	_ =	strace $0x90000048  }
0xb8: {  	_ =	sfence  }
0xb9: {  	s30 =	sld [smem:$0x0];
	_ =	sdelay $0x2  }
0xba: {  	s31 =	sshll.u32 s1, $0xD;
	s1 =	sshrl.u32 s1, $0x2  }
0xbb: {  	s3 =	sand.u32 $0x4000, s31;
	s1 =	sadd.s32 s1, s30  }
0xbc: {  	s0 =	sor.u32 s3, s0;
	s1 =	sshll.u32 s1, $0x11  }
0xbd: {  	s0 =	sor.u32 s1, s0  }
0xbe: {  	s0 =	sadd.s32 $0x8F2B, s0  }
0xbf: {  	[sflag:s0] =	ssyncadd.remote.s32 $0x1  }
0xc0: {  	_ =	sfence.sel $0xFFFF  }
0xc1: {  	[dreg:$0x0] =	wrdreg $0xFFFFFFFF;
	(pc) =	sbr.abs _section_cstart, $3  }
0xc2: {  	[dreg:$0x1] =	wrdreg $0xFFFFFFFF  }
0xc3: {  	_ =	task.clear_ibuf [dreg:s7], $0x2FFFF;
	_ =	strace $0x9FFFFFFF  }
0xc4: {  	(tm) =	ssettm $0x7FFFFFFF  }
0xc5: {  	_ =	shalt  }
tec
execute0_lowered:
.L_overlay_start_1:
0x0: {  	(tag) =	ssettag $0x1  }
0x1: {  	s0 =	rddreg [dreg:$0x0]  }
0x2: {  	s1 =	rddreg [dreg:$0x1]  }
0x3: {  	s2 =	rddreg [dreg:$0x2];
	s4 =	srdreg.scid  }
0x4: {  	s13 =	stileid.u32;
	s3 =	rddreg [dreg:$0x3];
	s16 =	simm.s32 $0xA  }
0x5: {  	s18 =	simm.s32 $0x16E00;
	s28 =	simm.s32 $0x1;
	s29 =	simm.s32 $0x2  }
0x6: {  	s30 =	simm.s32 $0x3;
	s31 =	simm.s32 $0x4;
	s19 =	simm.s32 $0x7  }
0x7: {  	s6 =	sand.u32 $0x1, s4;
	s5 =	sshll.u32 s13, $0x1;
	s4 =	simm.s32 $0x0  }
0x8: {  	s7 =	smul.u32 $0x9E00, s13;
	s10 =	sadd.s32 $0x29000, s0;
	s20 =	sadd.s32 $0x2A400, s0  }
0x9: {  	s21 =	sadd.s32 $0x2AA00, s0;
	s11 =	smul.u32 $0x2780, s13;
	s5 =	sor.u32 s6, s5  }
0xa: {  	[smem:$0x7FF] =	sst s4;
	s9 =	smul.u32 $0x9E000, s6;
	s22 =	ssub.s32 $0x2, s6  }
0xb: {  	s6 =	smul.u32 $0x27800, s6;
	_ =	strace $0x80000047;
	[dreg:$0x5] =	wrdreg s10  }
0xc: {  	s23 =	sshll.u32 s13, $0x6;
	s5 =	smul.u32 $0x500, s5;
	[dreg:$0x6] =	wrdreg s20  }
0xd: {  	[dreg:$0x7] =	wrdreg s21;
	s12 =	sshrl.u32 s22, $0x1;
	s20 =	simm.s32 $0x80  }
0xe: {  	s21 =	simm.s32 $0x5000;
	s9 =	sadd.s32 s7, s9;
	s10 =	ssub.s32 s22, s12  }
0xf: {  	s7 =	sadd.s32 s7, s2;
	s6 =	sadd.s32 s11, s6;
	s11 =	sadd.s32 s11, s3  }
0x10: {  	s22 =	simm.s32 $0x7000;
	s8 =	sadd.s32 s5, s0;
	s5 =	sadd.s32 $0x1400, s0  }
0x11: {  	s9 =	sshrl.u32 s9, $0x3;
	s6 =	sshrl.u32 s6, $0x3;
	s26 =	smax.u32 s10, $0x1  }
0x12: {  	s15 =	sshrl.u32 s7, $0x3;
	s17 =	sshrl.u32 s11, $0x3;
	s7 =	simm.s32 $0x4F00  }
0x13: {  	s10 =	simm.s32 $0x9;
	s11 =	simm.s32 $0x0;
	s0 =	sadd.s32 s9, s0  }
0x14: {  	s9 =	sor.u32 $0x1C0A, s23;
	s24 =	sadd.s32 $0x1F000, s8;
	s8 =	sadd.s32 $0x15000, s8  }
0x15: {  	s25 =	sadd.s32 s1, s6;
	[dreg:$0xc] =	wrdreg s26;
	s26 =	simm.s32 $0xB000  }
0x16: {  	s1 =	simm.s32 $0x5;
	s23 =	simm.s32 $0x8;
	[dreg:$0x8] =	wrdreg s24  }
0x17: {  	s6 =	simm.s32 $0x4E80;
	[dreg:$0x9] =	wrdreg s8;
	s0 =	sadd.s32 $0x2AC00, s0  }
0x18: {  	[dreg:$0xb] =	wrdreg s25;
	s24 =	simm.s32 $0x9000;
	s25 =	simm.s32 $0x4E00  }
0x19: {  	s8 =	simm.s32 $0x4F80;
	[dreg:$0xa] =	wrdreg s0;
	s0 =	simm.s32 $0x6  }
.LBB2_1:
0x1a: {  	s12 =	rddreg [dreg:$0x5]  }
0x1b: {  	[spmem:s15], [sflag:s9] =	dma.local [hbm:s12], $0x13C0  }
0x1c: {  	_ =	swait.ge [sflag:s16], $0x13C0  }
0x1d: {  	[sflag:s16] =	ssyncset.done $0x0  }
0x1e: {  	s13 =	rddreg [dreg:$0x6];
	[sflag:s16] =	ssyncadd.s32 $0xFFFFEC40  }
0x1f: {  	[spmem:s17], [sflag:s9] =	dma.local [hbm:s13], $0x4F0  }
0x20: {  	_ =	swait.ge [sflag:s16], $0x4F0  }
0x21: {  	[sflag:s16] =	ssyncset.done $0x0  }
0x22: {  	s14 =	rddreg [dreg:$0x7];
	[sflag:s16] =	ssyncadd.s32 $0xFFFFFB10  }
0x23: {  	[tilespmem:s18], [sflag:$0xA] =	stream.linear.gather [hbm4b:s14+s4], $0x800, $0x38;
	[tilespmem:$0x19D80] =	vst v63  }
0x24: {  	_ =	swait.ge [sflag:s16], $0x800  }
0x25: {  	[sflag:s16] =	ssyncset.done $0x0  }
0x26: {  	s13 =	rddreg [dreg:$0x8];
	[sflag:s16] =	ssyncadd.s32 $0xFFFFF800  }
0x27: {  	[tilespmem:s4], [sflag:$0xA] =	stream.linear.gather [hbm4b:s13+s4], $0x2800, $0x38;
	[tilespmem:$0x19D80] =	vst v63  }
0x28: {  	_ =	swait.ge [sflag:s16], $0x2800  }
0x29: {  	[sflag:s16] =	ssyncset.done $0x0  }
0x2a: {  	s13 =	simm.s32 $0x2800;
	s14 =	rddreg [dreg:$0x9];
	[sflag:s16] =	ssyncadd.s32 $0xFFFFD800  }
0x2b: {  	[tilespmem:s13], [sflag:$0xA] =	stream.linear.gather [hbm4b:s14+s4], $0x2800, $0x38;
	[tilespmem:$0x19D80] =	vst v63  }
0x2c: {  	_ =	swait.ge [sflag:s16], $0x2800  }
0x2d: {  	[sflag:s16] =	ssyncset.done $0x0  }
0x2e: {  	[sflag:s16] =	ssyncadd.s32 $0xFFFFD800  }
0x2f: {  	[bflag:$0x0] =	sbarrier.arrive $0xFFFF  }
0x30: {  	[tilespmem:s21], [sflag:$0x1] =	stream.indirect.gather [hbm4b:s5+s20], $0x40, s4, s20, $0xb8;
	[tilespmem:$0x19D80] =	vst v63  }
0x31: {  	_ = 	snop  }
0x32: {  	[tilespmem:s22], [sflag:$0x2] =	stream.indirect.gather [hbm4b:s5+s20], $0x40, s20, s20, $0xb8;
	[tilespmem:$0x19D80] =	vst v63  }
0x33: {  	s14 =	simm.s32 $0x100  }
0x34: {  	[tilespmem:s24], [sflag:$0x3] =	stream.indirect.gather [hbm4b:s5+s20], $0x40, s14, s20, $0xb8;
	[tilespmem:$0x19D80] =	vst v63  }
0x35: {  	s13 =	simm.s32 $0x180  }
0x36: {  	[tilespmem:s26], [sflag:$0x4] =	stream.indirect.gather [hbm4b:s5+s20], $0x40, s13, s20, $0xb8;
	[tilespmem:$0x19D80] =	vst v63  }
0x37: {  	_ =	swait.ge [sflag:s28], $0x2000  }
0x38: {  	[sflag:s28] =	ssyncset.done $0x0  }
0x39: {  	s14 =	simm.s32 $0x2800;
	[sflag:s28] =	ssyncadd.s32 $0xFFFFE000  }
0x3a: {  	[spmem:s2] =	stream.indirect.scatter.add.f32 [tilespmem:s21], [sflag:$0x5], $0x40, s14, s20, $0xb8;
	[tilespmem:$0x19D80] =	vst v63  }
0x3b: {  	_ = 	snop  }
0x3c: {  	[spmem:s3] =	stream.indirect.scatter.add.f32 [tilespmem:s18], [sflag:$0x9], $0x10, s14, s20, $0xb8;
	[tilespmem:$0x19D80] =	vst v63  }
0x3d: {  	_ =	swait.ge [sflag:s29], $0x2000  }
0x3e: {  	[sflag:s29] =	ssyncset.done $0x0  }
0x3f: {  	s13 =	simm.s32 $0x2880;
	[sflag:s29] =	ssyncadd.s32 $0xFFFFE000  }
0x40: {  	[spmem:s2] =	stream.indirect.scatter.add.f32 [tilespmem:s22], [sflag:$0x6], $0x40, s13, s20, $0xb8;
	[tilespmem:$0x19D80] =	vst v63  }
0x41: {  	_ = 	snop  }
0x42: {  	[spmem:s3] =	stream.indirect.scatter.add.f32 [tilespmem:s18], [sflag:$0x9], $0x10, s13, s20, $0xb8;
	[tilespmem:$0x19D80] =	vst v63  }
0x43: {  	_ =	swait.ge [sflag:s30], $0x2000  }
0x44: {  	[sflag:s30] =	ssyncset.done $0x0  }
0x45: {  	s14 =	simm.s32 $0x2900;
	[sflag:s30] =	ssyncadd.s32 $0xFFFFE000  }
0x46: {  	[spmem:s2] =	stream.indirect.scatter.add.f32 [tilespmem:s24], [sflag:$0x7], $0x40, s14, s20, $0xb8;
	[tilespmem:$0x19D80] =	vst v63  }
0x47: {  	_ = 	snop  }
0x48: {  	[spmem:s3] =	stream.indirect.scatter.add.f32 [tilespmem:s18], [sflag:$0x9], $0x10, s14, s20, $0xb8;
	[tilespmem:$0x19D80] =	vst v63  }
0x49: {  	_ =	swait.ge [sflag:s31], $0x2000  }
0x4a: {  	[sflag:s31] =	ssyncset.done $0x0  }
0x4b: {  	s13 =	simm.s32 $0x2980;
	[sflag:s31] =	ssyncadd.s32 $0xFFFFE000  }
0x4c: {  	[spmem:s2] =	stream.indirect.scatter.add.f32 [tilespmem:s26], [sflag:$0x8], $0x40, s13, s20, $0xb8;
	[tilespmem:$0x19D80] =	vst v63  }
0x4d: {  	_ = 	snop  }
0x4e: {  	[spmem:s3] =	stream.indirect.scatter.add.f32 [tilespmem:s18], [sflag:$0x9], $0x10, s13, s20, $0xb8;
	[tilespmem:$0x19D80] =	vst v63  }
0x4f: {  	_ =	swait.ge [sflag:s1], $0x2000  }
0x50: {  	[sflag:s1] =	ssyncset.done $0x0  }
0x51: {  	s14 =	simm.s32 $0x200;
	[sflag:s1] =	ssyncadd.s32 $0xFFFFE000  }
0x52: {  	[tilespmem:s21], [sflag:$0x1] =	stream.indirect.gather [hbm4b:s5+s20], $0x40, s14, s20, $0xb8;
	[tilespmem:$0x19D80] =	vst v63  }
0x53: {  	_ =	swait.ge [sflag:s0], $0x2000  }
0x54: {  	[sflag:s0] =	ssyncset.done $0x0  }
0x55: {  	s13 =	simm.s32 $0x280;
	[sflag:s0] =	ssyncadd.s32 $0xFFFFE000  }
0x56: {  	[tilespmem:s22], [sflag:$0x2] =	stream.indirect.gather [hbm4b:s5+s20], $0x40, s13, s20, $0xb8;
	[tilespmem:$0x19D80] =	vst v63  }
0x57: {  	_ =	swait.ge [sflag:s19], $0x2000  }
0x58: {  	[sflag:s19] =	ssyncset.done $0x0  }
0x59: {  	s14 =	simm.s32 $0x300;
	[sflag:s19] =	ssyncadd.s32 $0xFFFFE000  }
0x5a: {  	[tilespmem:s24], [sflag:$0x3] =	stream.indirect.gather [hbm4b:s5+s20], $0x40, s14, s20, $0xb8;
	[tilespmem:$0x19D80] =	vst v63  }
0x5b: {  	_ =	swait.ge [sflag:s23], $0x2000  }
0x5c: {  	[sflag:s23] =	ssyncset.done $0x0  }
0x5d: {  	s12 =	simm.s32 $0x800;
	s13 =	simm.s32 $0x380;
	[sflag:s23] =	ssyncadd.s32 $0xFFFFE000  }
.LBB2_2:
0x5e: {  	[tilespmem:s26], [sflag:$0x4] =	stream.indirect.gather [hbm4b:s5+s20], $0x40, s13, s20, $0xb8;
	[tilespmem:$0x19D80] =	vst v63  }
0x5f: {  	s13 =	smov.u32 s12  }
0x60: {  	p0 =	sne.s32 s12, $0x9000;
	s12 =	sadd.s32 $0x800, s12;
	_ =	swait.ge [sflag:s28], $0x2000  }
0x61: {  	s13 =	sshra.s32 s13, $0x2;
	[sflag:s28] =	ssyncset.done $0x0  }
0x62: {  	s14 =	sadd.s32 $0x2800, s13;
	[sflag:s28] =	ssyncadd.s32 $0xFFFFE000  }
0x63: {  	[spmem:s2] =	stream.indirect.scatter.add.f32 [tilespmem:s21], [sflag:$0x5], $0x40, s14, s20, $0xb8;
	[tilespmem:$0x19D80] =	vst v63  }
0x64: {  	_ = 	snop  }
0x65: {  	[spmem:s3] =	stream.indirect.scatter.add.f32 [tilespmem:s18], [sflag:$0x9], $0x10, s14, s20, $0xb8;
	[tilespmem:$0x19D80] =	vst v63  }
0x66: {  	_ =	swait.ge [sflag:s29], $0x2000  }
0x67: {  	[sflag:s29] =	ssyncset.done $0x0  }
0x68: {  	s14 =	sadd.s32 $0x2880, s13;
	[sflag:s29] =	ssyncadd.s32 $0xFFFFE000  }
0x69: {  	[spmem:s2] =	stream.indirect.scatter.add.f32 [tilespmem:s22], [sflag:$0x6], $0x40, s14, s20, $0xb8;
	[tilespmem:$0x19D80] =	vst v63  }
0x6a: {  	_ = 	snop  }
0x6b: {  	[spmem:s3] =	stream.indirect.scatter.add.f32 [tilespmem:s18], [sflag:$0x9], $0x10, s14, s20, $0xb8;
	[tilespmem:$0x19D80] =	vst v63  }
0x6c: {  	_ =	swait.ge [sflag:s30], $0x2000  }
0x6d: {  	[sflag:s30] =	ssyncset.done $0x0  }
0x6e: {  	s14 =	sadd.s32 $0x2900, s13;
	[sflag:s30] =	ssyncadd.s32 $0xFFFFE000  }
0x6f: {  	[spmem:s2] =	stream.indirect.scatter.add.f32 [tilespmem:s24], [sflag:$0x7], $0x40, s14, s20, $0xb8;
	[tilespmem:$0x19D80] =	vst v63  }
0x70: {  	_ = 	snop  }
0x71: {  	[spmem:s3] =	stream.indirect.scatter.add.f32 [tilespmem:s18], [sflag:$0x9], $0x10, s14, s20, $0xb8;
	[tilespmem:$0x19D80] =	vst v63  }
0x72: {  	_ =	swait.ge [sflag:s31], $0x2000  }
0x73: {  	[sflag:s31] =	ssyncset.done $0x0  }
0x74: {  	s14 =	sadd.s32 $0x2980, s13;
	[sflag:s31] =	ssyncadd.s32 $0xFFFFE000  }
0x75: {  	[spmem:s2] =	stream.indirect.scatter.add.f32 [tilespmem:s26], [sflag:$0x8], $0x40, s14, s20, $0xb8;
	[tilespmem:$0x19D80] =	vst v63  }
0x76: {  	_ = 	snop  }
0x77: {  	[spmem:s3] =	stream.indirect.scatter.add.f32 [tilespmem:s18], [sflag:$0x9], $0x10, s14, s20, $0xb8;
	[tilespmem:$0x19D80] =	vst v63  }
0x78: {  	_ =	swait.ge [sflag:s1], $0x2000  }
0x79: {  	[sflag:s1] =	ssyncset.done $0x0  }
0x7a: {  	s14 =	sadd.s32 $0x200, s13;
	[sflag:s1] =	ssyncadd.s32 $0xFFFFE000  }
0x7b: {  	[tilespmem:s21], [sflag:$0x1] =	stream.indirect.gather [hbm4b:s5+s20], $0x40, s14, s20, $0xb8;
	[tilespmem:$0x19D80] =	vst v63  }
0x7c: {  	_ =	swait.ge [sflag:s0], $0x2000  }
0x7d: {  	[sflag:s0] =	ssyncset.done $0x0  }
0x7e: {  	s14 =	sadd.s32 $0x280, s13;
	[sflag:s0] =	ssyncadd.s32 $0xFFFFE000  }
0x7f: {  	[tilespmem:s22], [sflag:$0x2] =	stream.indirect.gather [hbm4b:s5+s20], $0x40, s14, s20, $0xb8;
	[tilespmem:$0x19D80] =	vst v63  }
0x80: {  	_ =	swait.ge [sflag:s19], $0x2000  }
0x81: {  	[sflag:s19] =	ssyncset.done $0x0  }
.Ltmp0:
0x82: {  	s14 =	sadd.s32 $0x300, s13;
	[sflag:s19] =	ssyncadd.s32 $0xFFFFE000;
	(pc) =	sbr.rel @p0 .LBB2_2-.Ltmp0, $4  }
0x83: {  	[tilespmem:s24], [sflag:$0x3] =	stream.indirect.gather [hbm4b:s5+s20], $0x40, s14, s20, $0xb8;
	[tilespmem:$0x19D80] =	vst v63  }
0x84: {  	_ =	swait.ge [sflag:s23], $0x2000  }
0x85: {  	[sflag:s23] =	ssyncset.done $0x0  }
0x86: {  	s13 =	sadd.s32 $0x380, s13;
	[sflag:s23] =	ssyncadd.s32 $0xFFFFE000  }
0x87: {  	[tilespmem:s26], [sflag:$0x4] =	stream.indirect.gather [hbm4b:s5+s20], $0x40, s13, s20, $0xb8;
	[tilespmem:$0x19D80] =	vst v63  }
0x88: {  	_ =	swait.ge [sflag:s28], $0x2000  }
0x89: {  	[sflag:s28] =	ssyncset.done $0x0  }
0x8a: {  	[sflag:s28] =	ssyncadd.s32 $0xFFFFE000  }
0x8b: {  	[spmem:s2] =	stream.indirect.scatter.add.f32 [tilespmem:s21], [sflag:$0x5], $0x40, s25, s20, $0xb8;
	[tilespmem:$0x19D80] =	vst v63  }
0x8c: {  	_ = 	snop  }
0x8d: {  	[spmem:s3] =	stream.indirect.scatter.add.f32 [tilespmem:s18], [sflag:$0x9], $0x10, s25, s20, $0xb8;
	[tilespmem:$0x19D80] =	vst v63  }
0x8e: {  	_ =	swait.ge [sflag:s29], $0x2000  }
0x8f: {  	[sflag:s29] =	ssyncset.done $0x0  }
0x90: {  	[sflag:s29] =	ssyncadd.s32 $0xFFFFE000  }
0x91: {  	[spmem:s2] =	stream.indirect.scatter.add.f32 [tilespmem:s22], [sflag:$0x6], $0x40, s6, s20, $0xb8;
	[tilespmem:$0x19D80] =	vst v63  }
0x92: {  	_ = 	snop  }
0x93: {  	[spmem:s3] =	stream.indirect.scatter.add.f32 [tilespmem:s18], [sflag:$0x9], $0x10, s6, s20, $0xb8;
	[tilespmem:$0x19D80] =	vst v63  }
0x94: {  	_ =	swait.ge [sflag:s30], $0x2000  }
0x95: {  	[sflag:s30] =	ssyncset.done $0x0  }
0x96: {  	[sflag:s30] =	ssyncadd.s32 $0xFFFFE000  }
0x97: {  	[spmem:s2] =	stream.indirect.scatter.add.f32 [tilespmem:s24], [sflag:$0x7], $0x40, s7, s20, $0xb8;
	[tilespmem:$0x19D80] =	vst v63  }
0x98: {  	_ = 	snop  }
0x99: {  	[spmem:s3] =	stream.indirect.scatter.add.f32 [tilespmem:s18], [sflag:$0x9], $0x10, s7, s20, $0xb8;
	[tilespmem:$0x19D80] =	vst v63  }
0x9a: {  	_ =	swait.ge [sflag:s31], $0x2000  }
0x9b: {  	[sflag:s31] =	ssyncset.done $0x0  }
0x9c: {  	[sflag:s31] =	ssyncadd.s32 $0xFFFFE000  }
0x9d: {  	[spmem:s2] =	stream.indirect.scatter.add.f32 [tilespmem:s26], [sflag:$0x8], $0x40, s8, s20, $0xb8;
	[tilespmem:$0x19D80] =	vst v63  }
0x9e: {  	_ = 	snop  }
0x9f: {  	[spmem:s3] =	stream.indirect.scatter.add.f32 [tilespmem:s18], [sflag:$0x9], $0x10, s8, s20, $0xb8;
	[tilespmem:$0x19D80] =	vst v63  }
0xa0: {  	_ =	swait.ge [sflag:s1], $0x2000  }
0xa1: {  	[sflag:s1] =	ssyncset.done $0x0  }
0xa2: {  	[sflag:s1] =	ssyncadd.s32 $0xFFFFE000  }
0xa3: {  	_ =	swait.ge [sflag:s0], $0x2000  }
0xa4: {  	[sflag:s0] =	ssyncset.done $0x0  }
0xa5: {  	[sflag:s0] =	ssyncadd.s32 $0xFFFFE000  }
0xa6: {  	_ =	swait.ge [sflag:s19], $0x2000  }
0xa7: {  	[sflag:s19] =	ssyncset.done $0x0  }
0xa8: {  	[sflag:s19] =	ssyncadd.s32 $0xFFFFE000  }
0xa9: {  	_ =	swait.ge [sflag:s23], $0x2000  }
0xaa: {  	[sflag:s23] =	ssyncset.done $0x0  }
0xab: {  	[sflag:s23] =	ssyncadd.s32 $0xFFFFE000  }
0xac: {  	_ =	swait.ge [sflag:s10], $0x800  }
0xad: {  	s12 =	simm.s32 $0x4F;
	[sflag:s10] =	ssyncset.done $0x0  }
.LBB2_4:
0xae: {  	p0 =	sne.s32 s12, $0x1;
	s12 =	sadd.s32 $0xFFFFFFFF, s12;
	[sflag:s10] =	ssyncadd.s32 $0xFFFFF800  }
.Ltmp1:
0xaf: {  	(pc) =	sbr.rel @p0 .LBB2_4-.Ltmp1, $3  }
0xb0: {  	_ =	sdelay $0x1  }
0xb1: {  	_ =	swait.ge [sflag:s10], $0x800  }
0xb2: {  	[sflag:s10] =	ssyncset.done $0x0  }
0xb3: {  	[sflag:s10] =	ssyncadd.s32 $0xFFFFF800  }
0xb4: {  	[bflag:$0x0] =	sbarrier.arrive $0xFFFF  }
0xb5: {  	s12 =	rddreg [dreg:$0xa]  }
0xb6: {  	[hbm:s12], [sflag:s9] =	dma.local [spmem:s15], $0x13C0  }
0xb7: {  	_ =	swait.ge [sflag:s16], $0x13C0  }
0xb8: {  	[sflag:s16] =	ssyncset.done $0x0  }
0xb9: {  	s13 =	rddreg [dreg:$0xb];
	[sflag:s16] =	ssyncadd.s32 $0xFFFFEC40  }
0xba: {  	[hbm:s13], [sflag:s9] =	dma.local [spmem:s17], $0x4F0  }
0xbb: {  	_ =	swait.ge [sflag:s16], $0x4F0  }
0xbc: {  	s11 =	sadd.s32 $0x1, s11;
	s14 =	rddreg [dreg:$0xc]  }
0xbd: {  	p0 =	sne.s32 s11, s14  }
.Ltmp2:
0xbe: {  	_ = 	snop;
	(pc) =	sbr.rel @p0 .LBB2_1-.Ltmp2, $3  }
0xbf: {  	_ =	sdelay $0x1  }
0xc0: {  	[sflag:s16] =	ssyncset.done $0x0  }
0xc1: {  	[sflag:s16] =	ssyncadd.s32 $0xFFFFFB10  }
0xc2: {  	_ =	sfence.sel $0x180000  }
0xc3: {  	[bflag:$0x0] =	sbarrier.arrive $0xFFFF  }
0xc4: {  	_ =	strace $0x90000047  }
0xc5: {  	s0 =	stileid.u32;
	[bflag:$0x2] =	sbarrier.arrive $0xFFFF  }
0xc6: {  	p0 =	sne.s32 s0, $0x0;
	s0 =	rddreg [dreg:$0x4]  }
0xc7: {  	s0 =	sadd.s32 @!p0 $0x100000, s0  }
0xc8: {  	[sflag:s0] =	ssyncadd.tile.s32 @!p0 $0x1;
	_ =	shalt  }
.Lfunc_end2:
_tile_overlayer_lowered:
.L_overlay_start_2:
0xc9: {  	(tag) =	ssettag $0x2  }
0xca: {  	s0 =	rddreg [dreg:$0x0];
	s2 =	stileid.u32  }
0xcb: {  	s1 =	rddreg [dreg:$0x1];
	p0 =	sne.s32 s2, $0x0  }
0xcc: {  	s3 =	rddreg [dreg:$0x2];
	[bflag:$0x3] =	sbarrier.arrive $0xFFFF;
	s2 =	simm.s32 @!p0 $0x1C0A  }
0xcd: {  	[timem:s3], [sflag:s2] =	dma.local @!p0 [hbm:s0], s1  }
0xce: {  	s0 =	simm.s32 @!p0 $0xA  }
0xcf: {  	_ =	swait.ge @!p0 [sflag:s0], s1  }
0xd0: {  	s1 =	ssub.s32 @!p0 $0x0, s1;
	[sflag:s0] =	ssyncset.done @!p0 $0x0  }
0xd1: {  	[sflag:s0] =	ssyncadd.s32 @!p0 s1  }
0xd2: {  	[bflag:$0x3] =	sbarrier.arrive $0xFFFF  }
0xd3: {  	_ =	shalt  }

</sc_bundles>
